<compile_context>
chip_gen: v7x
topology: tpu7x:2x2x1
jax: 0.10.2.dev20260603
libtpu: 0.0.44.dev20260713+nightly
codegen_flags: <defaults>
</compile_context>

<pallas_src>
import functools

import jax
import jax.numpy as jnp
from jax import lax
from jax.experimental import pallas as pl
from jax.experimental.pallas import tpu as pltpu
from jax.experimental.pallas import tpu_sc as plsc

_N_PART = 8388608
_N_BINS = 256
_LO, _HI = -6.0, 6.0
_BIN_W = (_HI - _LO) / _N_BINS
_INV_W = 1.0 / _BIN_W
_NOISE_SCALE = 0.05
_SEED = 0

_NC, _NS, _L = 2, 16, 16
_NW = _NC * _NS
_PER_W = _N_PART // _NW
_CHUNK = 16384
_NBUF = 4
_NCHUNK = _PER_W // _CHUNK
_HC = _N_BINS + 5
_HW = _L * _HC
_QS = 512.0
_QBITS = 9
_CBIT = float(1 << 20)
_MASK = (1 << 20) - 1

_mesh = plsc.VectorSubcoreMesh(core_axis_name="c", subcore_axis_name="s")


@functools.partial(
    pl.kernel,
    out_type=jax.ShapeDtypeStruct((_NW, 2 * _HW), jnp.float32),
    mesh=_mesh,
    compiler_params=pltpu.CompilerParams(
        needs_layout_passes=False,
        use_tc_tiling_on_sc=True,
    ),
    scratch_types=[
        *([pltpu.VMEM((_CHUNK,), jnp.float32)] * _NBUF),
        pltpu.VMEM((_HW,), jnp.int32),
        pltpu.VMEM((2 * _HW,), jnp.float32),
        *([pltpu.SemaphoreType.DMA] * _NBUF),
    ],
)
def _hist_sc(xt, zeros_i_hbm, zeros_f_hbm, out, *refs):
    bufs = refs[:_NBUF]
    hist_i = refs[_NBUF]
    hist_f = refs[_NBUF + 1]
    sems = refs[_NBUF + 2 : 2 * _NBUF + 2]
    cid = lax.axis_index("c")
    sid = lax.axis_index("s")
    wid = sid * _NC + cid
    base = wid * _PER_W

    pltpu.sync_copy(zeros_i_hbm, hist_i)
    pltpu.sync_copy(zeros_f_hbm, hist_f)

    lane = lax.iota(jnp.int32, _L)
    laneoff = (lane * _HC).astype(jnp.float32)
    cvec = laneoff + (-_LO * _INV_W)
    lovec = laneoff
    hivec = laneoff + float(_N_BINS - 1)

    def start(ci, b):
        pltpu.async_copy(
            xt.at[0, pl.ds(base + ci * _CHUNK, _CHUNK)], bufs[b], sems[b]
        )

    def wait(b):
        pltpu.make_async_copy(
            xt.at[0, pl.ds(base, _CHUNK)], bufs[b], sems[b]
        ).wait()

    zi = lane * 0

    def process(b):
        buf = bufs[b]

        @plsc.parallel_loop(0, _CHUNK // _L, unroll=8)
        def body(it):
            v = buf[pl.ds(it * _L, _L)]
            u = jnp.minimum(jnp.maximum(v * _INV_W + cvec, lovec), hivec)
            i0 = u.astype(jnp.int32)
            w = (u * _QS + _CBIT).astype(jnp.int32) - (i0 << _QBITS)
            plsc.addupdate_scatter(hist_i, [i0], w)

        @plsc.parallel_loop(0, _HW // _L, unroll=3)
        def flush(j):
            a = hist_i[pl.ds(j * _L, _L)]
            cnt = lax.shift_right_logical(a, 20)
            q = jnp.bitwise_and(a, _MASK)
            plsc.addupdate(
                hist_f.at[pl.ds(j * _L, _L)], cnt.astype(jnp.float32)
            )
            plsc.addupdate(
                hist_f.at[pl.ds(_HW + j * _L, _L)],
                q.astype(jnp.float32) * (1.0 / _QS),
            )

        @plsc.parallel_loop(0, _HW // _L, unroll=3)
        def rezero(j):
            hist_i[pl.ds(j * _L, _L)] = zi

    for b in range(_NBUF):
        start(b, b)

    def outer(g, carry):
        for b in range(_NBUF):
            wait(b)
            process(b)

            @pl.when(g * _NBUF + b + _NBUF < _NCHUNK)
            def _():
                start(g * _NBUF + b + _NBUF, b)

        return carry

    lax.fori_loop(0, _NCHUNK // _NBUF, outer, 0)

    pltpu.sync_copy(hist_f, out.at[wid])


def _finish_body(parts_c_ref, parts_s_ref, scale_ref, o_ref):
    c = jnp.sum(parts_c_ref[...], axis=0)
    s = jnp.sum(parts_s_ref[...], axis=0)
    s_prev = jnp.concatenate([jnp.zeros((1,), jnp.float32), s[: _HC - 1]])
    o_ref[...] = jnp.maximum((c - s + s_prev) * scale_ref[...], 0.0)


_finish = pl.pallas_call(
    _finish_body,
    out_shape=jax.ShapeDtypeStruct((_HC,), jnp.float32),
)


def kernel(x):
    xt = x.T
    zeros_i = jnp.zeros((_HW,), jnp.int32)
    zeros_f = jnp.zeros((2 * _HW,), jnp.float32)
    parts = _hist_sc(xt, zeros_i, zeros_f)
    noise = (
        jax.random.normal(jax.random.key(_SEED), (_N_BINS,), jnp.float32)
        * _NOISE_SCALE
    )
    scale = jnp.concatenate(
        [
            (1.0 + noise) / (_N_PART * _BIN_W),
            jnp.zeros((_HC - _N_BINS,), jnp.float32),
        ]
    )
    parts_c = parts[:, :_HW].reshape(_NW * _L, _HC)
    parts_s = parts[:, _HW:].reshape(_NW * _L, _HC)
    out = _finish(parts_c, parts_s, scale)
    return out[:_N_BINS]

# --- scband reference (transcript-rebuilt; emitter-appended) ---
"""Pipeline reference for scband-histogram-3384434229367 (READ-ONLY COPY).

The authoritative reference and input builder live on the scoring server;
editing this copy changes nothing except your own understanding.
"""

import jax, jax.numpy as jnp
import numpy as np

# Histogram is abstract in the source (project/bin raise NotImplementedError).
# We concretize it as a standard differentiable 1D histogram diagnostic:
#   project(x) = x[:, AXIS]  (select one phase-space coordinate)
#   bin(xp)    = linear (cloud-in-cell) binning onto a fixed uniform grid,
#                normalized to a density, which is the common concrete subclass
#                used with this Diagnostic/Histogram base in beam-physics codes.
# The noise branch of forward() is reproduced faithfully (gaussian, seeded).

N_PART = 8388608
NDIM = 6
N_BINS = 256
LO, HI = -6.0, 6.0
BIN_WIDTH = (HI - LO) / N_BINS
NOISE_SCALE = 0.05
SEED = 0
AXIS = 0


def setup_inputs(seed: int = 0) -> dict:
    key = jax.random.key(seed)
    x = jax.random.normal(key, (N_PART, NDIM), dtype=jnp.float32)
    return {"x": x}


def _project(x):
    return x[:, AXIS]


def _bin(xp):
    t = (xp - LO) / BIN_WIDTH
    i0 = jnp.clip(jnp.floor(t), 0.0, N_BINS - 1)
    f = jnp.clip(t - i0, 0.0, 1.0)
    i0i = i0.astype(jnp.int32)
    i1i = jnp.minimum(i0i + 1, N_BINS - 1)
    hist = jnp.zeros((N_BINS,), dtype=jnp.float32)
    hist = hist.at[i0i].add(1.0 - f)
    hist = hist.at[i1i].add(f)
    hist = hist / (xp.shape[0] * BIN_WIDTH)
    return hist


def reference(x):
    # hist = self.bin(self.project(x))
    hist = _bin(_project(x))
    # noise=True, noise_scale=0.05, noise_type='gaussian', seed=0
    nkey = jax.random.key(SEED)
    frac_noise = jax.random.normal(nkey, (hist.shape[0],), dtype=jnp.float32) * NOISE_SCALE
    hist = hist * (1.0 + frac_noise)
    hist = jnp.clip(hist, 0.0, None)
    return hist

if __name__ == "__main__":
    import jax
    _d = setup_inputs()
    print(jax.jit(kernel)(*tuple(_d.values())))

</pallas_src>

<mosaic_0001>
#map = affine_map<(d0, d1) -> (0, 0)>
#map1 = affine_map<(d0, d1) -> (0)>
module attributes {stable_mosaic.version = 14 : i64} {
  func.func @_hist_sc(%arg0: i32, %arg1: i32, %arg2: memref<6x8388608xf32, #tpu.memory_space<hbm>>, %arg3: memref<4176xi32, #tpu.memory_space<hbm>>, %arg4: memref<8352xf32, #tpu.memory_space<hbm>>, %arg5: memref<32x8352xf32, #tpu.memory_space<hbm>>, %arg6: memref<16384xf32, #tpu.memory_space<vmem>>, %arg7: memref<16384xf32, #tpu.memory_space<vmem>>, %arg8: memref<16384xf32, #tpu.memory_space<vmem>>, %arg9: memref<16384xf32, #tpu.memory_space<vmem>>, %arg10: memref<4176xi32, #tpu.memory_space<vmem>>, %arg11: memref<8352xf32, #tpu.memory_space<vmem>>, %arg12: memref<!tpu.dma_semaphore, #tpu.memory_space<semaphore_mem>>, %arg13: memref<!tpu.dma_semaphore, #tpu.memory_space<semaphore_mem>>, %arg14: memref<!tpu.dma_semaphore, #tpu.memory_space<semaphore_mem>>, %arg15: memref<!tpu.dma_semaphore, #tpu.memory_space<semaphore_mem>>) attributes {dimension_semantics = [#tpu.dimension_semantics<core_parallel>, #tpu.dimension_semantics<subcore_parallel>], iteration_bounds = array<i64: 2, 16>, scalar_prefetch = 0 : i64, scratch_operands = 10 : i64, tpu.core_type = #tpu.core_type<sc_vector_subcore>, window_params = [{transform_indices = #map}, {transform_indices = #map1}, {transform_indices = #map1}, {transform_indices = #map}]} {
    %mul3A = arith.constant 2 : i32
    %mul3A_0 = arith.muli %arg1, %mul3A : i32
    %add3A = arith.addi %mul3A_0, %arg0 : i32
    %mul3A_1 = arith.constant 262144 : i32
    %mul3A_2 = arith.muli %add3A, %mul3A_1 : i32
    "tpu.region"() ({
      %run_scoped3A = tpu.sem_alloc : memref<!tpu.dma_semaphore, #tpu.memory_space<semaphore_mem>>
      tpu.enqueue_dma source(%arg3 : memref<4176xi32, #tpu.memory_space<hbm>>) target(%arg10 : memref<4176xi32, #tpu.memory_space<vmem>>) target_semaphore(%run_scoped3A : memref<!tpu.dma_semaphore, #tpu.memory_space<semaphore_mem>>)
      tpu.wait_dma2 semaphore(%run_scoped3A : memref<!tpu.dma_semaphore, #tpu.memory_space<semaphore_mem>>) src(%arg3 : memref<4176xi32, #tpu.memory_space<hbm>>) dst(%arg10 : memref<4176xi32, #tpu.memory_space<vmem>>)
      tpu.yield
    }) : () -> ()
    "tpu.region"() ({
      %run_scoped3A = tpu.sem_alloc : memref<!tpu.dma_semaphore, #tpu.memory_space<semaphore_mem>>
      tpu.enqueue_dma source(%arg4 : memref<8352xf32, #tpu.memory_space<hbm>>) target(%arg11 : memref<8352xf32, #tpu.memory_space<vmem>>) target_semaphore(%run_scoped3A : memref<!tpu.dma_semaphore, #tpu.memory_space<semaphore_mem>>)
      tpu.wait_dma2 semaphore(%run_scoped3A : memref<!tpu.dma_semaphore, #tpu.memory_space<semaphore_mem>>) src(%arg4 : memref<8352xf32, #tpu.memory_space<hbm>>) dst(%arg11 : memref<8352xf32, #tpu.memory_space<vmem>>)
      tpu.yield
    }) : () -> ()
    %iota3A = tpu.iota {dimensions = array<i32: 0>} : vector<16xi32>
    %mul3A_3 = arith.constant 261 : i32
    %mul3A_4 = vector.broadcast %mul3A_3 : i32 to vector<16xi32>
    %mul3A_5 = arith.muli %iota3A, %mul3A_4 : vector<16xi32>
    %convert_element_type3A = arith.sitofp %mul3A_5 : vector<16xi32> to vector<16xf32>
    %add3A_6 = arith.constant 1.280000e+02 : f32
    %add3A_7 = vector.broadcast %add3A_6 : f32 to vector<16xf32>
    %add3A_8 = arith.addf %convert_element_type3A, %add3A_7 : vector<16xf32>
    %add3A_9 = arith.constant 2.550000e+02 : f32
    %add3A_10 = vector.broadcast %add3A_9 : f32 to vector<16xf32>
    %add3A_11 = arith.addf %convert_element_type3A, %add3A_10 : vector<16xf32>
    %mul3A_12 = arith.constant 0 : i32
    %mul3A_13 = vector.broadcast %mul3A_12 : i32 to vector<16xi32>
    %mul3A_14 = arith.muli %iota3A, %mul3A_13 : vector<16xi32>
    %add3A_15 = arith.constant 0 : i32
    %add3A_16 = arith.addi %mul3A_2, %add3A_15 : i32
    %dma_start3A = arith.constant 0 : i32
    %dma_start3A_17 = tpu.memref_slice %arg2[%dma_start3A, %add3A_16] : memref<6x8388608xf32, #tpu.memory_space<hbm>> -> memref<1x16384xf32, #tpu.memory_space<hbm>>
    %dma_start3A_18 = tpu.memref_squeeze %dma_start3A_17 : memref<1x16384xf32, #tpu.memory_space<hbm>> -> memref<16384xf32, #tpu.memory_space<hbm>>
    %dma_start3A_19 = tpu.memref_slice %arg2[%dma_start3A, %add3A_16] : memref<6x8388608xf32, #tpu.memory_space<hbm>> -> memref<1x16384xf32, #tpu.memory_space<hbm>>
    %dma_start3A_20 = tpu.memref_squeeze %dma_start3A_19 : memref<1x16384xf32, #tpu.memory_space<hbm>> -> memref<16384xf32, #tpu.memory_space<hbm>>
    tpu.enqueue_dma source(%dma_start3A_20 : memref<16384xf32, #tpu.memory_space<hbm>>) target(%arg6 : memref<16384xf32, #tpu.memory_space<vmem>>) target_semaphore(%arg12 : memref<!tpu.dma_semaphore, #tpu.memory_space<semaphore_mem>>)
    %add3A_21 = arith.constant 16384 : i32
    %add3A_22 = arith.addi %mul3A_2, %add3A_21 : i32
    %dma_start3A_23 = arith.constant 0 : i32
    %dma_start3A_24 = tpu.memref_slice %arg2[%dma_start3A_23, %add3A_22] : memref<6x8388608xf32, #tpu.memory_space<hbm>> -> memref<1x16384xf32, #tpu.memory_space<hbm>>
    %dma_start3A_25 = tpu.memref_squeeze %dma_start3A_24 : memref<1x16384xf32, #tpu.memory_space<hbm>> -> memref<16384xf32, #tpu.memory_space<hbm>>
    %dma_start3A_26 = tpu.memref_slice %arg2[%dma_start3A_23, %add3A_22] : memref<6x8388608xf32, #tpu.memory_space<hbm>> -> memref<1x16384xf32, #tpu.memory_space<hbm>>
    %dma_start3A_27 = tpu.memref_squeeze %dma_start3A_26 : memref<1x16384xf32, #tpu.memory_space<hbm>> -> memref<16384xf32, #tpu.memory_space<hbm>>
    tpu.enqueue_dma source(%dma_start3A_27 : memref<16384xf32, #tpu.memory_space<hbm>>) target(%arg7 : memref<16384xf32, #tpu.memory_space<vmem>>) target_semaphore(%arg13 : memref<!tpu.dma_semaphore, #tpu.memory_space<semaphore_mem>>)
    %add3A_28 = arith.constant 32768 : i32
    %add3A_29 = arith.addi %mul3A_2, %add3A_28 : i32
    %dma_start3A_30 = arith.constant 0 : i32
    %dma_start3A_31 = tpu.memref_slice %arg2[%dma_start3A_30, %add3A_29] : memref<6x8388608xf32, #tpu.memory_space<hbm>> -> memref<1x16384xf32, #tpu.memory_space<hbm>>
    %dma_start3A_32 = tpu.memref_squeeze %dma_start3A_31 : memref<1x16384xf32, #tpu.memory_space<hbm>> -> memref<16384xf32, #tpu.memory_space<hbm>>
    %dma_start3A_33 = tpu.memref_slice %arg2[%dma_start3A_30, %add3A_29] : memref<6x8388608xf32, #tpu.memory_space<hbm>> -> memref<1x16384xf32, #tpu.memory_space<hbm>>
    %dma_start3A_34 = tpu.memref_squeeze %dma_start3A_33 : memref<1x16384xf32, #tpu.memory_space<hbm>> -> memref<16384xf32, #tpu.memory_space<hbm>>
    tpu.enqueue_dma source(%dma_start3A_34 : memref<16384xf32, #tpu.memory_space<hbm>>) target(%arg8 : memref<16384xf32, #tpu.memory_space<vmem>>) target_semaphore(%arg14 : memref<!tpu.dma_semaphore, #tpu.memory_space<semaphore_mem>>)
    %add3A_35 = arith.constant 49152 : i32
    %add3A_36 = arith.addi %mul3A_2, %add3A_35 : i32
    %dma_start3A_37 = arith.constant 0 : i32
    %dma_start3A_38 = tpu.memref_slice %arg2[%dma_start3A_37, %add3A_36] : memref<6x8388608xf32, #tpu.memory_space<hbm>> -> memref<1x16384xf32, #tpu.memory_space<hbm>>
    %dma_start3A_39 = tpu.memref_squeeze %dma_start3A_38 : memref<1x16384xf32, #tpu.memory_space<hbm>> -> memref<16384xf32, #tpu.memory_space<hbm>>
    %dma_start3A_40 = tpu.memref_slice %arg2[%dma_start3A_37, %add3A_36] : memref<6x8388608xf32, #tpu.memory_space<hbm>> -> memref<1x16384xf32, #tpu.memory_space<hbm>>
    %dma_start3A_41 = tpu.memref_squeeze %dma_start3A_40 : memref<1x16384xf32, #tpu.memory_space<hbm>> -> memref<16384xf32, #tpu.memory_space<hbm>>
    tpu.enqueue_dma source(%dma_start3A_41 : memref<16384xf32, #tpu.memory_space<hbm>>) target(%arg9 : memref<16384xf32, #tpu.memory_space<vmem>>) target_semaphore(%arg15 : memref<!tpu.dma_semaphore, #tpu.memory_space<semaphore_mem>>)
    %scan3A = arith.constant 0 : i32
    %scan3A_42 = arith.constant 0 : i32
    %scan3A_43 = arith.constant 4 : i32
    %scan3A_44 = arith.addi %scan3A_42, %scan3A_43 : i32
    %scan3A_45 = arith.constant 1 : i32
    scf.for %scan3A_47 = %scan3A_42 to %scan3A_44 step %scan3A_45  : i32 {
      %dma_wait3A = arith.constant 0 : i32
      %dma_wait3A_48 = tpu.memref_slice %arg2[%dma_wait3A, %mul3A_2] : memref<6x8388608xf32, #tpu.memory_space<hbm>> -> memref<1x16384xf32, #tpu.memory_space<hbm>>
      %dma_wait3A_49 = tpu.memref_squeeze %dma_wait3A_48 : memref<1x16384xf32, #tpu.memory_space<hbm>> -> memref<16384xf32, #tpu.memory_space<hbm>>
      %dma_wait3A_50 = tpu.memref_slice %arg2[%dma_wait3A, %mul3A_2] : memref<6x8388608xf32, #tpu.memory_space<hbm>> -> memref<1x16384xf32, #tpu.memory_space<hbm>>
      %dma_wait3A_51 = tpu.memref_squeeze %dma_wait3A_50 : memref<1x16384xf32, #tpu.memory_space<hbm>> -> memref<16384xf32, #tpu.memory_space<hbm>>
      tpu.wait_dma2 semaphore(%arg12 : memref<!tpu.dma_semaphore, #tpu.memory_space<semaphore_mem>>) src(%dma_wait3A_51 : memref<16384xf32, #tpu.memory_space<hbm>>) dst(%arg6 : memref<16384xf32, #tpu.memory_space<vmem>>)
      %parallel_loop3A = arith.constant 0 : i32
      %parallel_loop3A_52 = arith.constant 1024 : i32
      %parallel_loop3A_53 = arith.constant 1 : i32
      scf.for %parallel_loop3A_144 = %parallel_loop3A to %parallel_loop3A_52 step %parallel_loop3A_53  : i32 {
        %parallel_loop3A_145 = arith.constant 16 : i32
        %parallel_loop3A_146 = arith.muli %parallel_loop3A_144, %parallel_loop3A_145 : i32
        %parallel_loop3A_147 = arith.index_cast %parallel_loop3A_146 : i32 to index
        %parallel_loop3A_148 = tpu.vector_load %arg6[%parallel_loop3A_147] {strides = array<i32>} : memref<16384xf32, #tpu.memory_space<vmem>>, vector<16xf32>,
        %parallel_loop3A_149 = arith.constant 21.333334 : f32
        %parallel_loop3A_150 = vector.broadcast %parallel_loop3A_149 : f32 to vector<16xf32>
        %parallel_loop3A_151 = arith.mulf %parallel_loop3A_148, %parallel_loop3A_150 : vector<16xf32>
        %parallel_loop3A_152 = arith.addf %parallel_loop3A_151, %add3A_8 : vector<16xf32>
        %parallel_loop3A_153 = arith.maximumf %parallel_loop3A_152, %convert_element_type3A : vector<16xf32>
        %parallel_loop3A_154 = arith.minimumf %parallel_loop3A_153, %add3A_11 : vector<16xf32>
        %parallel_loop3A_155 = arith.fptosi %parallel_loop3A_154 : vector<16xf32> to vector<16xi32>
        %parallel_loop3A_156 = arith.constant 5.120000e+02 : f32
        %parallel_loop3A_157 = vector.broadcast %parallel_loop3A_156 : f32 to vector<16xf32>
        %parallel_loop3A_158 = arith.mulf %parallel_loop3A_154, %parallel_loop3A_157 : vector<16xf32>
        %parallel_loop3A_159 = arith.constant 0x49800000 : f32
        %parallel_loop3A_160 = vector.broadcast %parallel_loop3A_159 : f32 to vector<16xf32>
        %parallel_loop3A_161 = arith.addf %parallel_loop3A_158, %parallel_loop3A_160 : vector<16xf32>
        %parallel_loop3A_162 = arith.fptosi %parallel_loop3A_161 : vector<16xf32> to vector<16xi32>
        %parallel_loop3A_163 = arith.constant 9 : i32
        %parallel_loop3A_164 = vector.broadcast %parallel_loop3A_163 : i32 to vector<16xi32>
        %parallel_loop3A_165 = arith.shli %parallel_loop3A_155, %parallel_loop3A_164 : vector<16xi32>
        %parallel_loop3A_166 = arith.subi %parallel_loop3A_162, %parallel_loop3A_165 : vector<16xi32>
        tpu.vector_store_idx %arg10[%parallel_loop3A_155], %parallel_loop3A_166 {add = true} : memref<4176xi32, #tpu.memory_space<vmem>>[vector<16xi32>], vector<16xi32>,
      } {sc.loop_unroll_factor = 8 : i64, sc.parallel_access}
      %parallel_loop3A_54 = arith.constant 0 : i32
      %parallel_loop3A_55 = arith.constant 261 : i32
      %parallel_loop3A_56 = arith.constant 1 : i32
      scf.for %parallel_loop3A_144 = %parallel_loop3A_54 to %parallel_loop3A_55 step %parallel_loop3A_56  : i32 {
        %parallel_loop3A_145 = arith.constant 16 : i32
        %parallel_loop3A_146 = arith.muli %parallel_loop3A_144, %parallel_loop3A_145 : i32
        %parallel_loop3A_147 = arith.index_cast %parallel_loop3A_146 : i32 to index
        %parallel_loop3A_148 = tpu.vector_load %arg10[%parallel_loop3A_147] {strides = array<i32>} : memref<4176xi32, #tpu.memory_space<vmem>>, vector<16xi32>,
        %parallel_loop3A_149 = arith.constant 20 : i32
        %parallel_loop3A_150 = vector.broadcast %parallel_loop3A_149 : i32 to vector<16xi32>
        %parallel_loop3A_151 = arith.shrui %parallel_loop3A_148, %parallel_loop3A_150 : vector<16xi32>
        %parallel_loop3A_152 = arith.constant 1048575 : i32
        %parallel_loop3A_153 = vector.broadcast %parallel_loop3A_152 : i32 to vector<16xi32>
        %parallel_loop3A_154 = arith.andi %parallel_loop3A_148, %parallel_loop3A_153 : vector<16xi32>
        %parallel_loop3A_155 = arith.constant 16 : i32
        %parallel_loop3A_156 = arith.muli %parallel_loop3A_144, %parallel_loop3A_155 : i32
        %parallel_loop3A_157 = arith.sitofp %parallel_loop3A_151 : vector<16xi32> to vector<16xf32>
        %parallel_loop3A_158 = arith.index_cast %parallel_loop3A_156 : i32 to index
        %parallel_loop3A_159 = tpu.vector_load %arg11[%parallel_loop3A_158] {strides = array<i32>} : memref<8352xf32, #tpu.memory_space<vmem>>, vector<16xf32>,
        tpu.vector_store %arg11[%parallel_loop3A_158], %parallel_loop3A_157 {add = true, strides = array<i32>} : memref<8352xf32, #tpu.memory_space<vmem>>, vector<16xf32>,
        %parallel_loop3A_160 = arith.constant 16 : i32
        %parallel_loop3A_161 = arith.muli %parallel_loop3A_144, %parallel_loop3A_160 : i32
        %parallel_loop3A_162 = arith.constant 4176 : i32
        %parallel_loop3A_163 = arith.addi %parallel_loop3A_162, %parallel_loop3A_161 : i32
        %parallel_loop3A_164 = arith.sitofp %parallel_loop3A_154 : vector<16xi32> to vector<16xf32>
        %parallel_loop3A_165 = arith.constant 0.001953125 : f32
        %parallel_loop3A_166 = vector.broadcast %parallel_loop3A_165 : f32 to vector<16xf32>
        %parallel_loop3A_167 = arith.mulf %parallel_loop3A_164, %parallel_loop3A_166 : vector<16xf32>
        %parallel_loop3A_168 = arith.index_cast %parallel_loop3A_163 : i32 to index
        %parallel_loop3A_169 = tpu.vector_load %arg11[%parallel_loop3A_168] {strides = array<i32>} : memref<8352xf32, #tpu.memory_space<vmem>>, vector<16xf32>,
        tpu.vector_store %arg11[%parallel_loop3A_168], %parallel_loop3A_167 {add = true, strides = array<i32>} : memref<8352xf32, #tpu.memory_space<vmem>>, vector<16xf32>,
      } {sc.loop_unroll_factor = 3 : i64, sc.parallel_access}
      %parallel_loop3A_57 = arith.constant 0 : i32
      %parallel_loop3A_58 = arith.constant 261 : i32
      %parallel_loop3A_59 = arith.constant 1 : i32
      scf.for %parallel_loop3A_144 = %parallel_loop3A_57 to %parallel_loop3A_58 step %parallel_loop3A_59  : i32 {
        %parallel_loop3A_145 = arith.constant 16 : i32
        %parallel_loop3A_146 = arith.muli %parallel_loop3A_144, %parallel_loop3A_145 : i32
        %parallel_loop3A_147 = arith.index_cast %parallel_loop3A_146 : i32 to index
        %parallel_loop3A_148 = tpu.vector_load %arg10[%parallel_loop3A_147] {strides = array<i32>} : memref<4176xi32, #tpu.memory_space<vmem>>, vector<16xi32>,
        tpu.vector_store %arg10[%parallel_loop3A_147], %mul3A_14 {strides = array<i32>} : memref<4176xi32, #tpu.memory_space<vmem>>, vector<16xi32>,
      } {sc.loop_unroll_factor = 3 : i64, sc.parallel_access}
      %mul3A_60 = arith.constant 4 : i32
      %mul3A_61 = arith.muli %scan3A_47, %mul3A_60 : i32
      %add3A_62 = arith.constant 0 : i32
      %add3A_63 = arith.addi %mul3A_61, %add3A_62 : i32
      %add3A_64 = arith.constant 4 : i32
      %add3A_65 = arith.addi %add3A_63, %add3A_64 : i32
      %lt3A = arith.constant 16 : i32
      %lt3A_66 = arith.cmpi slt, %add3A_65, %lt3A : i32
      %convert_element_type3A_67 = arith.extui %lt3A_66 : i1 to i32
      %cond3A = arith.constant 0 : i32
      %cond3A_68 = arith.cmpi ne, %convert_element_type3A_67, %cond3A : i32
      scf.if %cond3A_68 {
        %mul3A_144 = arith.constant 4 : i32
        %mul3A_145 = arith.muli %scan3A_47, %mul3A_144 : i32
        %add3A_146 = arith.constant 0 : i32
        %add3A_147 = arith.addi %mul3A_145, %add3A_146 : i32
        %add3A_148 = arith.constant 4 : i32
        %add3A_149 = arith.addi %add3A_147, %add3A_148 : i32
        %mul3A_150 = arith.constant 16384 : i32
        %mul3A_151 = arith.muli %add3A_149, %mul3A_150 : i32
        %add3A_152 = arith.addi %mul3A_2, %mul3A_151 : i32
        %dma_start3A_153 = arith.constant 0 : i32
        %dma_start3A_154 = tpu.memref_slice %arg2[%dma_start3A_153, %add3A_152] : memref<6x8388608xf32, #tpu.memory_space<hbm>> -> memref<1x16384xf32, #tpu.memory_space<hbm>>
        %dma_start3A_155 = tpu.memref_squeeze %dma_start3A_154 : memref<1x16384xf32, #tpu.memory_space<hbm>> -> memref<16384xf32, #tpu.memory_space<hbm>>
        %dma_start3A_156 = tpu.memref_slice %arg2[%dma_start3A_153, %add3A_152] : memref<6x8388608xf32, #tpu.memory_space<hbm>> -> memref<1x16384xf32, #tpu.memory_space<hbm>>
        %dma_start3A_157 = tpu.memref_squeeze %dma_start3A_156 : memref<1x16384xf32, #tpu.memory_space<hbm>> -> memref<16384xf32, #tpu.memory_space<hbm>>
        tpu.enqueue_dma source(%dma_start3A_157 : memref<16384xf32, #tpu.memory_space<hbm>>) target(%arg6 : memref<16384xf32, #tpu.memory_space<vmem>>) target_semaphore(%arg12 : memref<!tpu.dma_semaphore, #tpu.memory_space<semaphore_mem>>)
      } else {
      }
      %dma_wait3A_69 = arith.constant 0 : i32
      %dma_wait3A_70 = tpu.memref_slice %arg2[%dma_wait3A_69, %mul3A_2] : memref<6x8388608xf32, #tpu.memory_space<hbm>> -> memref<1x16384xf32, #tpu.memory_space<hbm>>
      %dma_wait3A_71 = tpu.memref_squeeze %dma_wait3A_70 : memref<1x16384xf32, #tpu.memory_space<hbm>> -> memref<16384xf32, #tpu.memory_space<hbm>>
      %dma_wait3A_72 = tpu.memref_slice %arg2[%dma_wait3A_69, %mul3A_2] : memref<6x8388608xf32, #tpu.memory_space<hbm>> -> memref<1x16384xf32, #tpu.memory_space<hbm>>
      %dma_wait3A_73 = tpu.memref_squeeze %dma_wait3A_72 : memref<1x16384xf32, #tpu.memory_space<hbm>> -> memref<16384xf32, #tpu.memory_space<hbm>>
      tpu.wait_dma2 semaphore(%arg13 : memref<!tpu.dma_semaphore, #tpu.memory_space<semaphore_mem>>) src(%dma_wait3A_73 : memref<16384xf32, #tpu.memory_space<hbm>>) dst(%arg7 : memref<16384xf32, #tpu.memory_space<vmem>>)
      %parallel_loop3A_74 = arith.constant 0 : i32
      %parallel_loop3A_75 = arith.constant 1024 : i32
      %parallel_loop3A_76 = arith.constant 1 : i32
      scf.for %parallel_loop3A_144 = %parallel_loop3A_74 to %parallel_loop3A_75 step %parallel_loop3A_76  : i32 {
        %parallel_loop3A_145 = arith.constant 16 : i32
        %parallel_loop3A_146 = arith.muli %parallel_loop3A_144, %parallel_loop3A_145 : i32
        %parallel_loop3A_147 = arith.index_cast %parallel_loop3A_146 : i32 to index
        %parallel_loop3A_148 = tpu.vector_load %arg7[%parallel_loop3A_147] {strides = array<i32>} : memref<16384xf32, #tpu.memory_space<vmem>>, vector<16xf32>,
        %parallel_loop3A_149 = arith.constant 21.333334 : f32
        %parallel_loop3A_150 = vector.broadcast %parallel_loop3A_149 : f32 to vector<16xf32>
        %parallel_loop3A_151 = arith.mulf %parallel_loop3A_148, %parallel_loop3A_150 : vector<16xf32>
        %parallel_loop3A_152 = arith.addf %parallel_loop3A_151, %add3A_8 : vector<16xf32>
        %parallel_loop3A_153 = arith.maximumf %parallel_loop3A_152, %convert_element_type3A : vector<16xf32>
        %parallel_loop3A_154 = arith.minimumf %parallel_loop3A_153, %add3A_11 : vector<16xf32>
        %parallel_loop3A_155 = arith.fptosi %parallel_loop3A_154 : vector<16xf32> to vector<16xi32>
        %parallel_loop3A_156 = arith.constant 5.120000e+02 : f32
        %parallel_loop3A_157 = vector.broadcast %parallel_loop3A_156 : f32 to vector<16xf32>
        %parallel_loop3A_158 = arith.mulf %parallel_loop3A_154, %parallel_loop3A_157 : vector<16xf32>
        %parallel_loop3A_159 = arith.constant 0x49800000 : f32
        %parallel_loop3A_160 = vector.broadcast %parallel_loop3A_159 : f32 to vector<16xf32>
        %parallel_loop3A_161 = arith.addf %parallel_loop3A_158, %parallel_loop3A_160 : vector<16xf32>
        %parallel_loop3A_162 = arith.fptosi %parallel_loop3A_161 : vector<16xf32> to vector<16xi32>
        %parallel_loop3A_163 = arith.constant 9 : i32
        %parallel_loop3A_164 = vector.broadcast %parallel_loop3A_163 : i32 to vector<16xi32>
        %parallel_loop3A_165 = arith.shli %parallel_loop3A_155, %parallel_loop3A_164 : vector<16xi32>
        %parallel_loop3A_166 = arith.subi %parallel_loop3A_162, %parallel_loop3A_165 : vector<16xi32>
        tpu.vector_store_idx %arg10[%parallel_loop3A_155], %parallel_loop3A_166 {add = true} : memref<4176xi32, #tpu.memory_space<vmem>>[vector<16xi32>], vector<16xi32>,
      } {sc.loop_unroll_factor = 8 : i64, sc.parallel_access}
      %parallel_loop3A_77 = arith.constant 0 : i32
      %parallel_loop3A_78 = arith.constant 261 : i32
      %parallel_loop3A_79 = arith.constant 1 : i32
      scf.for %parallel_loop3A_144 = %parallel_loop3A_77 to %parallel_loop3A_78 step %parallel_loop3A_79  : i32 {
        %parallel_loop3A_145 = arith.constant 16 : i32
        %parallel_loop3A_146 = arith.muli %parallel_loop3A_144, %parallel_loop3A_145 : i32
        %parallel_loop3A_147 = arith.index_cast %parallel_loop3A_146 : i32 to index
        %parallel_loop3A_148 = tpu.vector_load %arg10[%parallel_loop3A_147] {strides = array<i32>} : memref<4176xi32, #tpu.memory_space<vmem>>, vector<16xi32>,
        %parallel_loop3A_149 = arith.constant 20 : i32
        %parallel_loop3A_150 = vector.broadcast %parallel_loop3A_149 : i32 to vector<16xi32>
        %parallel_loop3A_151 = arith.shrui %parallel_loop3A_148, %parallel_loop3A_150 : vector<16xi32>
        %parallel_loop3A_152 = arith.constant 1048575 : i32
        %parallel_loop3A_153 = vector.broadcast %parallel_loop3A_152 : i32 to vector<16xi32>
        %parallel_loop3A_154 = arith.andi %parallel_loop3A_148, %parallel_loop3A_153 : vector<16xi32>
        %parallel_loop3A_155 = arith.constant 16 : i32
        %parallel_loop3A_156 = arith.muli %parallel_loop3A_144, %parallel_loop3A_155 : i32
        %parallel_loop3A_157 = arith.sitofp %parallel_loop3A_151 : vector<16xi32> to vector<16xf32>
        %parallel_loop3A_158 = arith.index_cast %parallel_loop3A_156 : i32 to index
        %parallel_loop3A_159 = tpu.vector_load %arg11[%parallel_loop3A_158] {strides = array<i32>} : memref<8352xf32, #tpu.memory_space<vmem>>, vector<16xf32>,
        tpu.vector_store %arg11[%parallel_loop3A_158], %parallel_loop3A_157 {add = true, strides = array<i32>} : memref<8352xf32, #tpu.memory_space<vmem>>, vector<16xf32>,
        %parallel_loop3A_160 = arith.constant 16 : i32
        %parallel_loop3A_161 = arith.muli %parallel_loop3A_144, %parallel_loop3A_160 : i32
        %parallel_loop3A_162 = arith.constant 4176 : i32
        %parallel_loop3A_163 = arith.addi %parallel_loop3A_162, %parallel_loop3A_161 : i32
        %parallel_loop3A_164 = arith.sitofp %parallel_loop3A_154 : vector<16xi32> to vector<16xf32>
        %parallel_loop3A_165 = arith.constant 0.001953125 : f32
        %parallel_loop3A_166 = vector.broadcast %parallel_loop3A_165 : f32 to vector<16xf32>
        %parallel_loop3A_167 = arith.mulf %parallel_loop3A_164, %parallel_loop3A_166 : vector<16xf32>
        %parallel_loop3A_168 = arith.index_cast %parallel_loop3A_163 : i32 to index
        %parallel_loop3A_169 = tpu.vector_load %arg11[%parallel_loop3A_168] {strides = array<i32>} : memref<8352xf32, #tpu.memory_space<vmem>>, vector<16xf32>,
        tpu.vector_store %arg11[%parallel_loop3A_168], %parallel_loop3A_167 {add = true, strides = array<i32>} : memref<8352xf32, #tpu.memory_space<vmem>>, vector<16xf32>,
      } {sc.loop_unroll_factor = 3 : i64, sc.parallel_access}
      %parallel_loop3A_80 = arith.constant 0 : i32
      %parallel_loop3A_81 = arith.constant 261 : i32
      %parallel_loop3A_82 = arith.constant 1 : i32
      scf.for %parallel_loop3A_144 = %parallel_loop3A_80 to %parallel_loop3A_81 step %parallel_loop3A_82  : i32 {
        %parallel_loop3A_145 = arith.constant 16 : i32
        %parallel_loop3A_146 = arith.muli %parallel_loop3A_144, %parallel_loop3A_145 : i32
        %parallel_loop3A_147 = arith.index_cast %parallel_loop3A_146 : i32 to index
        %parallel_loop3A_148 = tpu.vector_load %arg10[%parallel_loop3A_147] {strides = array<i32>} : memref<4176xi32, #tpu.memory_space<vmem>>, vector<16xi32>,
        tpu.vector_store %arg10[%parallel_loop3A_147], %mul3A_14 {strides = array<i32>} : memref<4176xi32, #tpu.memory_space<vmem>>, vector<16xi32>,
      } {sc.loop_unroll_factor = 3 : i64, sc.parallel_access}
      %mul3A_83 = arith.constant 4 : i32
      %mul3A_84 = arith.muli %scan3A_47, %mul3A_83 : i32
      %add3A_85 = arith.constant 1 : i32
      %add3A_86 = arith.addi %mul3A_84, %add3A_85 : i32
      %add3A_87 = arith.constant 4 : i32
      %add3A_88 = arith.addi %add3A_86, %add3A_87 : i32
      %lt3A_89 = arith.constant 16 : i32
      %lt3A_90 = arith.cmpi slt, %add3A_88, %lt3A_89 : i32
      %convert_element_type3A_91 = arith.extui %lt3A_90 : i1 to i32
      %cond3A_92 = arith.constant 0 : i32
      %cond3A_93 = arith.cmpi ne, %convert_element_type3A_91, %cond3A_92 : i32
      scf.if %cond3A_93 {
        %mul3A_144 = arith.constant 4 : i32
        %mul3A_145 = arith.muli %scan3A_47, %mul3A_144 : i32
        %add3A_146 = arith.constant 1 : i32
        %add3A_147 = arith.addi %mul3A_145, %add3A_146 : i32
        %add3A_148 = arith.constant 4 : i32
        %add3A_149 = arith.addi %add3A_147, %add3A_148 : i32
        %mul3A_150 = arith.constant 16384 : i32
        %mul3A_151 = arith.muli %add3A_149, %mul3A_150 : i32
        %add3A_152 = arith.addi %mul3A_2, %mul3A_151 : i32
        %dma_start3A_153 = arith.constant 0 : i32
        %dma_start3A_154 = tpu.memref_slice %arg2[%dma_start3A_153, %add3A_152] : memref<6x8388608xf32, #tpu.memory_space<hbm>> -> memref<1x16384xf32, #tpu.memory_space<hbm>>
        %dma_start3A_155 = tpu.memref_squeeze %dma_start3A_154 : memref<1x16384xf32, #tpu.memory_space<hbm>> -> memref<16384xf32, #tpu.memory_space<hbm>>
        %dma_start3A_156 = tpu.memref_slice %arg2[%dma_start3A_153, %add3A_152] : memref<6x8388608xf32, #tpu.memory_space<hbm>> -> memref<1x16384xf32, #tpu.memory_space<hbm>>
        %dma_start3A_157 = tpu.memref_squeeze %dma_start3A_156 : memref<1x16384xf32, #tpu.memory_space<hbm>> -> memref<16384xf32, #tpu.memory_space<hbm>>
        tpu.enqueue_dma source(%dma_start3A_157 : memref<16384xf32, #tpu.memory_space<hbm>>) target(%arg7 : memref<16384xf32, #tpu.memory_space<vmem>>) target_semaphore(%arg13 : memref<!tpu.dma_semaphore, #tpu.memory_space<semaphore_mem>>)
      } else {
      }
      %dma_wait3A_94 = arith.constant 0 : i32
      %dma_wait3A_95 = tpu.memref_slice %arg2[%dma_wait3A_94, %mul3A_2] : memref<6x8388608xf32, #tpu.memory_space<hbm>> -> memref<1x16384xf32, #tpu.memory_space<hbm>>
      %dma_wait3A_96 = tpu.memref_squeeze %dma_wait3A_95 : memref<1x16384xf32, #tpu.memory_space<hbm>> -> memref<16384xf32, #tpu.memory_space<hbm>>
      %dma_wait3A_97 = tpu.memref_slice %arg2[%dma_wait3A_94, %mul3A_2] : memref<6x8388608xf32, #tpu.memory_space<hbm>> -> memref<1x16384xf32, #tpu.memory_space<hbm>>
      %dma_wait3A_98 = tpu.memref_squeeze %dma_wait3A_97 : memref<1x16384xf32, #tpu.memory_space<hbm>> -> memref<16384xf32, #tpu.memory_space<hbm>>
      tpu.wait_dma2 semaphore(%arg14 : memref<!tpu.dma_semaphore, #tpu.memory_space<semaphore_mem>>) src(%dma_wait3A_98 : memref<16384xf32, #tpu.memory_space<hbm>>) dst(%arg8 : memref<16384xf32, #tpu.memory_space<vmem>>)
      %parallel_loop3A_99 = arith.constant 0 : i32
      %parallel_loop3A_100 = arith.constant 1024 : i32
      %parallel_loop3A_101 = arith.constant 1 : i32
      scf.for %parallel_loop3A_144 = %parallel_loop3A_99 to %parallel_loop3A_100 step %parallel_loop3A_101  : i32 {
        %parallel_loop3A_145 = arith.constant 16 : i32
        %parallel_loop3A_146 = arith.muli %parallel_loop3A_144, %parallel_loop3A_145 : i32
        %parallel_loop3A_147 = arith.index_cast %parallel_loop3A_146 : i32 to index
        %parallel_loop3A_148 = tpu.vector_load %arg8[%parallel_loop3A_147] {strides = array<i32>} : memref<16384xf32, #tpu.memory_space<vmem>>, vector<16xf32>,
        %parallel_loop3A_149 = arith.constant 21.333334 : f32
        %parallel_loop3A_150 = vector.broadcast %parallel_loop3A_149 : f32 to vector<16xf32>
        %parallel_loop3A_151 = arith.mulf %parallel_loop3A_148, %parallel_loop3A_150 : vector<16xf32>
        %parallel_loop3A_152 = arith.addf %parallel_loop3A_151, %add3A_8 : vector<16xf32>
        %parallel_loop3A_153 = arith.maximumf %parallel_loop3A_152, %convert_element_type3A : vector<16xf32>
        %parallel_loop3A_154 = arith.minimumf %parallel_loop3A_153, %add3A_11 : vector<16xf32>
        %parallel_loop3A_155 = arith.fptosi %parallel_loop3A_154 : vector<16xf32> to vector<16xi32>
        %parallel_loop3A_156 = arith.constant 5.120000e+02 : f32
        %parallel_loop3A_157 = vector.broadcast %parallel_loop3A_156 : f32 to vector<16xf32>
        %parallel_loop3A_158 = arith.mulf %parallel_loop3A_154, %parallel_loop3A_157 : vector<16xf32>
        %parallel_loop3A_159 = arith.constant 0x49800000 : f32
        %parallel_loop3A_160 = vector.broadcast %parallel_loop3A_159 : f32 to vector<16xf32>
        %parallel_loop3A_161 = arith.addf %parallel_loop3A_158, %parallel_loop3A_160 : vector<16xf32>
        %parallel_loop3A_162 = arith.fptosi %parallel_loop3A_161 : vector<16xf32> to vector<16xi32>
        %parallel_loop3A_163 = arith.constant 9 : i32
        %parallel_loop3A_164 = vector.broadcast %parallel_loop3A_163 : i32 to vector<16xi32>
        %parallel_loop3A_165 = arith.shli %parallel_loop3A_155, %parallel_loop3A_164 : vector<16xi32>
        %parallel_loop3A_166 = arith.subi %parallel_loop3A_162, %parallel_loop3A_165 : vector<16xi32>
        tpu.vector_store_idx %arg10[%parallel_loop3A_155], %parallel_loop3A_166 {add = true} : memref<4176xi32, #tpu.memory_space<vmem>>[vector<16xi32>], vector<16xi32>,
      } {sc.loop_unroll_factor = 8 : i64, sc.parallel_access}
      %parallel_loop3A_102 = arith.constant 0 : i32
      %parallel_loop3A_103 = arith.constant 261 : i32
      %parallel_loop3A_104 = arith.constant 1 : i32
      scf.for %parallel_loop3A_144 = %parallel_loop3A_102 to %parallel_loop3A_103 step %parallel_loop3A_104  : i32 {
        %parallel_loop3A_145 = arith.constant 16 : i32
        %parallel_loop3A_146 = arith.muli %parallel_loop3A_144, %parallel_loop3A_145 : i32
        %parallel_loop3A_147 = arith.index_cast %parallel_loop3A_146 : i32 to index
        %parallel_loop3A_148 = tpu.vector_load %arg10[%parallel_loop3A_147] {strides = array<i32>} : memref<4176xi32, #tpu.memory_space<vmem>>, vector<16xi32>,
        %parallel_loop3A_149 = arith.constant 20 : i32
        %parallel_loop3A_150 = vector.broadcast %parallel_loop3A_149 : i32 to vector<16xi32>
        %parallel_loop3A_151 = arith.shrui %parallel_loop3A_148, %parallel_loop3A_150 : vector<16xi32>
        %parallel_loop3A_152 = arith.constant 1048575 : i32
        %parallel_loop3A_153 = vector.broadcast %parallel_loop3A_152 : i32 to vector<16xi32>
        %parallel_loop3A_154 = arith.andi %parallel_loop3A_148, %parallel_loop3A_153 : vector<16xi32>
        %parallel_loop3A_155 = arith.constant 16 : i32
        %parallel_loop3A_156 = arith.muli %parallel_loop3A_144, %parallel_loop3A_155 : i32
        %parallel_loop3A_157 = arith.sitofp %parallel_loop3A_151 : vector<16xi32> to vector<16xf32>
        %parallel_loop3A_158 = arith.index_cast %parallel_loop3A_156 : i32 to index
        %parallel_loop3A_159 = tpu.vector_load %arg11[%parallel_loop3A_158] {strides = array<i32>} : memref<8352xf32, #tpu.memory_space<vmem>>, vector<16xf32>,
        tpu.vector_store %arg11[%parallel_loop3A_158], %parallel_loop3A_157 {add = true, strides = array<i32>} : memref<8352xf32, #tpu.memory_space<vmem>>, vector<16xf32>,
        %parallel_loop3A_160 = arith.constant 16 : i32
        %parallel_loop3A_161 = arith.muli %parallel_loop3A_144, %parallel_loop3A_160 : i32
        %parallel_loop3A_162 = arith.constant 4176 : i32
        %parallel_loop3A_163 = arith.addi %parallel_loop3A_162, %parallel_loop3A_161 : i32
        %parallel_loop3A_164 = arith.sitofp %parallel_loop3A_154 : vector<16xi32> to vector<16xf32>
        %parallel_loop3A_165 = arith.constant 0.001953125 : f32
        %parallel_loop3A_166 = vector.broadcast %parallel_loop3A_165 : f32 to vector<16xf32>
        %parallel_loop3A_167 = arith.mulf %parallel_loop3A_164, %parallel_loop3A_166 : vector<16xf32>
        %parallel_loop3A_168 = arith.index_cast %parallel_loop3A_163 : i32 to index
        %parallel_loop3A_169 = tpu.vector_load %arg11[%parallel_loop3A_168] {strides = array<i32>} : memref<8352xf32, #tpu.memory_space<vmem>>, vector<16xf32>,
        tpu.vector_store %arg11[%parallel_loop3A_168], %parallel_loop3A_167 {add = true, strides = array<i32>} : memref<8352xf32, #tpu.memory_space<vmem>>, vector<16xf32>,
      } {sc.loop_unroll_factor = 3 : i64, sc.parallel_access}
      %parallel_loop3A_105 = arith.constant 0 : i32
      %parallel_loop3A_106 = arith.constant 261 : i32
      %parallel_loop3A_107 = arith.constant 1 : i32
      scf.for %parallel_loop3A_144 = %parallel_loop3A_105 to %parallel_loop3A_106 step %parallel_loop3A_107  : i32 {
        %parallel_loop3A_145 = arith.constant 16 : i32
        %parallel_loop3A_146 = arith.muli %parallel_loop3A_144, %parallel_loop3A_145 : i32
        %parallel_loop3A_147 = arith.index_cast %parallel_loop3A_146 : i32 to index
        %parallel_loop3A_148 = tpu.vector_load %arg10[%parallel_loop3A_147] {strides = array<i32>} : memref<4176xi32, #tpu.memory_space<vmem>>, vector<16xi32>,
        tpu.vector_store %arg10[%parallel_loop3A_147], %mul3A_14 {strides = array<i32>} : memref<4176xi32, #tpu.memory_space<vmem>>, vector<16xi32>,
      } {sc.loop_unroll_factor = 3 : i64, sc.parallel_access}
      %mul3A_108 = arith.constant 4 : i32
      %mul3A_109 = arith.muli %scan3A_47, %mul3A_108 : i32
      %add3A_110 = arith.constant 2 : i32
      %add3A_111 = arith.addi %mul3A_109, %add3A_110 : i32
      %add3A_112 = arith.constant 4 : i32
      %add3A_113 = arith.addi %add3A_111, %add3A_112 : i32
      %lt3A_114 = arith.constant 16 : i32
      %lt3A_115 = arith.cmpi slt, %add3A_113, %lt3A_114 : i32
      %convert_element_type3A_116 = arith.extui %lt3A_115 : i1 to i32
      %cond3A_117 = arith.constant 0 : i32
      %cond3A_118 = arith.cmpi ne, %convert_element_type3A_116, %cond3A_117 : i32
      scf.if %cond3A_118 {
        %mul3A_144 = arith.constant 4 : i32
        %mul3A_145 = arith.muli %scan3A_47, %mul3A_144 : i32
        %add3A_146 = arith.constant 2 : i32
        %add3A_147 = arith.addi %mul3A_145, %add3A_146 : i32
        %add3A_148 = arith.constant 4 : i32
        %add3A_149 = arith.addi %add3A_147, %add3A_148 : i32
        %mul3A_150 = arith.constant 16384 : i32
        %mul3A_151 = arith.muli %add3A_149, %mul3A_150 : i32
        %add3A_152 = arith.addi %mul3A_2, %mul3A_151 : i32
        %dma_start3A_153 = arith.constant 0 : i32
        %dma_start3A_154 = tpu.memref_slice %arg2[%dma_start3A_153, %add3A_152] : memref<6x8388608xf32, #tpu.memory_space<hbm>> -> memref<1x16384xf32, #tpu.memory_space<hbm>>
        %dma_start3A_155 = tpu.memref_squeeze %dma_start3A_154 : memref<1x16384xf32, #tpu.memory_space<hbm>> -> memref<16384xf32, #tpu.memory_space<hbm>>
        %dma_start3A_156 = tpu.memref_slice %arg2[%dma_start3A_153, %add3A_152] : memref<6x8388608xf32, #tpu.memory_space<hbm>> -> memref<1x16384xf32, #tpu.memory_space<hbm>>
        %dma_start3A_157 = tpu.memref_squeeze %dma_start3A_156 : memref<1x16384xf32, #tpu.memory_space<hbm>> -> memref<16384xf32, #tpu.memory_space<hbm>>
        tpu.enqueue_dma source(%dma_start3A_157 : memref<16384xf32, #tpu.memory_space<hbm>>) target(%arg8 : memref<16384xf32, #tpu.memory_space<vmem>>) target_semaphore(%arg14 : memref<!tpu.dma_semaphore, #tpu.memory_space<semaphore_mem>>)
      } else {
      }
      %dma_wait3A_119 = arith.constant 0 : i32
      %dma_wait3A_120 = tpu.memref_slice %arg2[%dma_wait3A_119, %mul3A_2] : memref<6x8388608xf32, #tpu.memory_space<hbm>> -> memref<1x16384xf32, #tpu.memory_space<hbm>>
      %dma_wait3A_121 = tpu.memref_squeeze %dma_wait3A_120 : memref<1x16384xf32, #tpu.memory_space<hbm>> -> memref<16384xf32, #tpu.memory_space<hbm>>
      %dma_wait3A_122 = tpu.memref_slice %arg2[%dma_wait3A_119, %mul3A_2] : memref<6x8388608xf32, #tpu.memory_space<hbm>> -> memref<1x16384xf32, #tpu.memory_space<hbm>>
      %dma_wait3A_123 = tpu.memref_squeeze %dma_wait3A_122 : memref<1x16384xf32, #tpu.memory_space<hbm>> -> memref<16384xf32, #tpu.memory_space<hbm>>
      tpu.wait_dma2 semaphore(%arg15 : memref<!tpu.dma_semaphore, #tpu.memory_space<semaphore_mem>>) src(%dma_wait3A_123 : memref<16384xf32, #tpu.memory_space<hbm>>) dst(%arg9 : memref<16384xf32, #tpu.memory_space<vmem>>)
      %parallel_loop3A_124 = arith.constant 0 : i32
      %parallel_loop3A_125 = arith.constant 1024 : i32
      %parallel_loop3A_126 = arith.constant 1 : i32
      scf.for %parallel_loop3A_144 = %parallel_loop3A_124 to %parallel_loop3A_125 step %parallel_loop3A_126  : i32 {
        %parallel_loop3A_145 = arith.constant 16 : i32
        %parallel_loop3A_146 = arith.muli %parallel_loop3A_144, %parallel_loop3A_145 : i32
        %parallel_loop3A_147 = arith.index_cast %parallel_loop3A_146 : i32 to index
        %parallel_loop3A_148 = tpu.vector_load %arg9[%parallel_loop3A_147] {strides = array<i32>} : memref<16384xf32, #tpu.memory_space<vmem>>, vector<16xf32>,
        %parallel_loop3A_149 = arith.constant 21.333334 : f32
        %parallel_loop3A_150 = vector.broadcast %parallel_loop3A_149 : f32 to vector<16xf32>
        %parallel_loop3A_151 = arith.mulf %parallel_loop3A_148, %parallel_loop3A_150 : vector<16xf32>
        %parallel_loop3A_152 = arith.addf %parallel_loop3A_151, %add3A_8 : vector<16xf32>
        %parallel_loop3A_153 = arith.maximumf %parallel_loop3A_152, %convert_element_type3A : vector<16xf32>
        %parallel_loop3A_154 = arith.minimumf %parallel_loop3A_153, %add3A_11 : vector<16xf32>
        %parallel_loop3A_155 = arith.fptosi %parallel_loop3A_154 : vector<16xf32> to vector<16xi32>
        %parallel_loop3A_156 = arith.constant 5.120000e+02 : f32
        %parallel_loop3A_157 = vector.broadcast %parallel_loop3A_156 : f32 to vector<16xf32>
        %parallel_loop3A_158 = arith.mulf %parallel_loop3A_154, %parallel_loop3A_157 : vector<16xf32>
        %parallel_loop3A_159 = arith.constant 0x49800000 : f32
        %parallel_loop3A_160 = vector.broadcast %parallel_loop3A_159 : f32 to vector<16xf32>
        %parallel_loop3A_161 = arith.addf %parallel_loop3A_158, %parallel_loop3A_160 : vector<16xf32>
        %parallel_loop3A_162 = arith.fptosi %parallel_loop3A_161 : vector<16xf32> to vector<16xi32>
        %parallel_loop3A_163 = arith.constant 9 : i32
        %parallel_loop3A_164 = vector.broadcast %parallel_loop3A_163 : i32 to vector<16xi32>
        %parallel_loop3A_165 = arith.shli %parallel_loop3A_155, %parallel_loop3A_164 : vector<16xi32>
        %parallel_loop3A_166 = arith.subi %parallel_loop3A_162, %parallel_loop3A_165 : vector<16xi32>
        tpu.vector_store_idx %arg10[%parallel_loop3A_155], %parallel_loop3A_166 {add = true} : memref<4176xi32, #tpu.memory_space<vmem>>[vector<16xi32>], vector<16xi32>,
      } {sc.loop_unroll_factor = 8 : i64, sc.parallel_access}
      %parallel_loop3A_127 = arith.constant 0 : i32
      %parallel_loop3A_128 = arith.constant 261 : i32
      %parallel_loop3A_129 = arith.constant 1 : i32
      scf.for %parallel_loop3A_144 = %parallel_loop3A_127 to %parallel_loop3A_128 step %parallel_loop3A_129  : i32 {
        %parallel_loop3A_145 = arith.constant 16 : i32
        %parallel_loop3A_146 = arith.muli %parallel_loop3A_144, %parallel_loop3A_145 : i32
        %parallel_loop3A_147 = arith.index_cast %parallel_loop3A_146 : i32 to index
        %parallel_loop3A_148 = tpu.vector_load %arg10[%parallel_loop3A_147] {strides = array<i32>} : memref<4176xi32, #tpu.memory_space<vmem>>, vector<16xi32>,
        %parallel_loop3A_149 = arith.constant 20 : i32
        %parallel_loop3A_150 = vector.broadcast %parallel_loop3A_149 : i32 to vector<16xi32>
        %parallel_loop3A_151 = arith.shrui %parallel_loop3A_148, %parallel_loop3A_150 : vector<16xi32>
        %parallel_loop3A_152 = arith.constant 1048575 : i32
        %parallel_loop3A_153 = vector.broadcast %parallel_loop3A_152 : i32 to vector<16xi32>
        %parallel_loop3A_154 = arith.andi %parallel_loop3A_148, %parallel_loop3A_153 : vector<16xi32>
        %parallel_loop3A_155 = arith.constant 16 : i32
        %parallel_loop3A_156 = arith.muli %parallel_loop3A_144, %parallel_loop3A_155 : i32
        %parallel_loop3A_157 = arith.sitofp %parallel_loop3A_151 : vector<16xi32> to vector<16xf32>
        %parallel_loop3A_158 = arith.index_cast %parallel_loop3A_156 : i32 to index
        %parallel_loop3A_159 = tpu.vector_load %arg11[%parallel_loop3A_158] {strides = array<i32>} : memref<8352xf32, #tpu.memory_space<vmem>>, vector<16xf32>,
        tpu.vector_store %arg11[%parallel_loop3A_158], %parallel_loop3A_157 {add = true, strides = array<i32>} : memref<8352xf32, #tpu.memory_space<vmem>>, vector<16xf32>,
        %parallel_loop3A_160 = arith.constant 16 : i32
        %parallel_loop3A_161 = arith.muli %parallel_loop3A_144, %parallel_loop3A_160 : i32
        %parallel_loop3A_162 = arith.constant 4176 : i32
        %parallel_loop3A_163 = arith.addi %parallel_loop3A_162, %parallel_loop3A_161 : i32
        %parallel_loop3A_164 = arith.sitofp %parallel_loop3A_154 : vector<16xi32> to vector<16xf32>
        %parallel_loop3A_165 = arith.constant 0.001953125 : f32
        %parallel_loop3A_166 = vector.broadcast %parallel_loop3A_165 : f32 to vector<16xf32>
        %parallel_loop3A_167 = arith.mulf %parallel_loop3A_164, %parallel_loop3A_166 : vector<16xf32>
        %parallel_loop3A_168 = arith.index_cast %parallel_loop3A_163 : i32 to index
        %parallel_loop3A_169 = tpu.vector_load %arg11[%parallel_loop3A_168] {strides = array<i32>} : memref<8352xf32, #tpu.memory_space<vmem>>, vector<16xf32>,
        tpu.vector_store %arg11[%parallel_loop3A_168], %parallel_loop3A_167 {add = true, strides = array<i32>} : memref<8352xf32, #tpu.memory_space<vmem>>, vector<16xf32>,
      } {sc.loop_unroll_factor = 3 : i64, sc.parallel_access}
      %parallel_loop3A_130 = arith.constant 0 : i32
      %parallel_loop3A_131 = arith.constant 261 : i32
      %parallel_loop3A_132 = arith.constant 1 : i32
      scf.for %parallel_loop3A_144 = %parallel_loop3A_130 to %parallel_loop3A_131 step %parallel_loop3A_132  : i32 {
        %parallel_loop3A_145 = arith.constant 16 : i32
        %parallel_loop3A_146 = arith.muli %parallel_loop3A_144, %parallel_loop3A_145 : i32
        %parallel_loop3A_147 = arith.index_cast %parallel_loop3A_146 : i32 to index
        %parallel_loop3A_148 = tpu.vector_load %arg10[%parallel_loop3A_147] {strides = array<i32>} : memref<4176xi32, #tpu.memory_space<vmem>>, vector<16xi32>,
        tpu.vector_store %arg10[%parallel_loop3A_147], %mul3A_14 {strides = array<i32>} : memref<4176xi32, #tpu.memory_space<vmem>>, vector<16xi32>,
      } {sc.loop_unroll_factor = 3 : i64, sc.parallel_access}
      %mul3A_133 = arith.constant 4 : i32
      %mul3A_134 = arith.muli %scan3A_47, %mul3A_133 : i32
      %add3A_135 = arith.constant 3 : i32
      %add3A_136 = arith.addi %mul3A_134, %add3A_135 : i32
      %add3A_137 = arith.constant 4 : i32
      %add3A_138 = arith.addi %add3A_136, %add3A_137 : i32
      %lt3A_139 = arith.constant 16 : i32
      %lt3A_140 = arith.cmpi slt, %add3A_138, %lt3A_139 : i32
      %convert_element_type3A_141 = arith.extui %lt3A_140 : i1 to i32
      %cond3A_142 = arith.constant 0 : i32
      %cond3A_143 = arith.cmpi ne, %convert_element_type3A_141, %cond3A_142 : i32
      scf.if %cond3A_143 {
        %mul3A_144 = arith.constant 4 : i32
        %mul3A_145 = arith.muli %scan3A_47, %mul3A_144 : i32
        %add3A_146 = arith.constant 3 : i32
        %add3A_147 = arith.addi %mul3A_145, %add3A_146 : i32
        %add3A_148 = arith.constant 4 : i32
        %add3A_149 = arith.addi %add3A_147, %add3A_148 : i32
        %mul3A_150 = arith.constant 16384 : i32
        %mul3A_151 = arith.muli %add3A_149, %mul3A_150 : i32
        %add3A_152 = arith.addi %mul3A_2, %mul3A_151 : i32
        %dma_start3A_153 = arith.constant 0 : i32
        %dma_start3A_154 = tpu.memref_slice %arg2[%dma_start3A_153, %add3A_152] : memref<6x8388608xf32, #tpu.memory_space<hbm>> -> memref<1x16384xf32, #tpu.memory_space<hbm>>
        %dma_start3A_155 = tpu.memref_squeeze %dma_start3A_154 : memref<1x16384xf32, #tpu.memory_space<hbm>> -> memref<16384xf32, #tpu.memory_space<hbm>>
        %dma_start3A_156 = tpu.memref_slice %arg2[%dma_start3A_153, %add3A_152] : memref<6x8388608xf32, #tpu.memory_space<hbm>> -> memref<1x16384xf32, #tpu.memory_space<hbm>>
        %dma_start3A_157 = tpu.memref_squeeze %dma_start3A_156 : memref<1x16384xf32, #tpu.memory_space<hbm>> -> memref<16384xf32, #tpu.memory_space<hbm>>
        tpu.enqueue_dma source(%dma_start3A_157 : memref<16384xf32, #tpu.memory_space<hbm>>) target(%arg9 : memref<16384xf32, #tpu.memory_space<vmem>>) target_semaphore(%arg15 : memref<!tpu.dma_semaphore, #tpu.memory_space<semaphore_mem>>)
      } else {
      }
    }
    %scan3A_46 = arith.constant 4 : i32
    "tpu.region"() ({
      %run_scoped3A = tpu.sem_alloc : memref<!tpu.dma_semaphore, #tpu.memory_space<semaphore_mem>>
      %dma_start3A_47 = arith.constant 0 : i32
      %dma_start3A_48 = tpu.memref_slice %arg5[%add3A, %dma_start3A_47] : memref<32x8352xf32, #tpu.memory_space<hbm>> -> memref<1x8352xf32, #tpu.memory_space<hbm>>
      %dma_start3A_49 = tpu.memref_squeeze %dma_start3A_48 : memref<1x8352xf32, #tpu.memory_space<hbm>> -> memref<8352xf32, #tpu.memory_space<hbm>>
      %dma_start3A_50 = arith.constant 0 : i32
      %dma_start3A_51 = tpu.memref_slice %arg5[%add3A, %dma_start3A_50] : memref<32x8352xf32, #tpu.memory_space<hbm>> -> memref<1x8352xf32, #tpu.memory_space<hbm>>
      %dma_start3A_52 = tpu.memref_squeeze %dma_start3A_51 : memref<1x8352xf32, #tpu.memory_space<hbm>> -> memref<8352xf32, #tpu.memory_space<hbm>>
      tpu.enqueue_dma source(%arg11 : memref<8352xf32, #tpu.memory_space<vmem>>) target(%dma_start3A_52 : memref<8352xf32, #tpu.memory_space<hbm>>) target_semaphore(%run_scoped3A : memref<!tpu.dma_semaphore, #tpu.memory_space<semaphore_mem>>)
      %dma_wait3A = arith.constant 0 : i32
      %dma_wait3A_53 = tpu.memref_slice %arg5[%add3A, %dma_wait3A] : memref<32x8352xf32, #tpu.memory_space<hbm>> -> memref<1x8352xf32, #tpu.memory_space<hbm>>
      %dma_wait3A_54 = tpu.memref_squeeze %dma_wait3A_53 : memref<1x8352xf32, #tpu.memory_space<hbm>> -> memref<8352xf32, #tpu.memory_space<hbm>>
      %dma_wait3A_55 = arith.constant 0 : i32
      %dma_wait3A_56 = tpu.memref_slice %arg5[%add3A, %dma_wait3A_55] : memref<32x8352xf32, #tpu.memory_space<hbm>> -> memref<1x8352xf32, #tpu.memory_space<hbm>>
      %dma_wait3A_57 = tpu.memref_squeeze %dma_wait3A_56 : memref<1x8352xf32, #tpu.memory_space<hbm>> -> memref<8352xf32, #tpu.memory_space<hbm>>
      tpu.wait_dma2 semaphore(%run_scoped3A : memref<!tpu.dma_semaphore, #tpu.memory_space<semaphore_mem>>) src(%arg11 : memref<8352xf32, #tpu.memory_space<vmem>>) dst(%dma_wait3A_57 : memref<8352xf32, #tpu.memory_space<hbm>>)
      tpu.yield
    }) : () -> ()
    return
  }
}

module attributes {stable_mosaic.version = 14 : i64} {
  func.func @_finish_body(%arg0: memref<512x261xf32, #tpu.memory_space<vmem>>, %arg1: memref<512x261xf32, #tpu.memory_space<vmem>>, %arg2: memref<261xf32, #tpu.memory_space<vmem>>, %arg3: memref<261xf32, #tpu.memory_space<vmem>>) attributes {dimension_semantics = [], scalar_prefetch = 0 : i64, scratch_operands = 0 : i64, tpu.core_type = #tpu.core_type<tc>} {
    %get3A = arith.constant 0 : index
    %get3A_0 = arith.constant 0 : index
    %get3A_1 = vector.load %arg0[%get3A, %get3A_0] : memref<512x261xf32, #tpu.memory_space<vmem>>, vector<512x261xf32>
    %reduce_sum3A = arith.constant dense<0.000000e+00> : vector<261xf32>
    %reduce_sum3A_2 = vector.multi_reduction <add>, %get3A_1, %reduce_sum3A [0] : vector<512x261xf32> to vector<261xf32>
    %get3A_3 = arith.constant 0 : index
    %get3A_4 = arith.constant 0 : index
    %get3A_5 = vector.load %arg1[%get3A_3, %get3A_4] : memref<512x261xf32, #tpu.memory_space<vmem>>, vector<512x261xf32>
    %reduce_sum3A_6 = arith.constant dense<0.000000e+00> : vector<261xf32>
    %reduce_sum3A_7 = vector.multi_reduction <add>, %get3A_5, %reduce_sum3A_6 [0] : vector<512x261xf32> to vector<261xf32>
    %broadcast_in_dim3A = arith.constant 0.000000e+00 : f32
    %broadcast_in_dim3A_8 = vector.broadcast %broadcast_in_dim3A : f32 to vector<1xf32>
    %slice3A = vector.extract_strided_slice %reduce_sum3A_7 {offsets = [0], sizes = [260], strides = [1]} : vector<261xf32> to vector<260xf32>
    %concatenate3A = tpu.concatenate %broadcast_in_dim3A_8, %slice3A in 0 : vector<1xf32>, vector<260xf32> -> vector<261xf32>
    %sub3A = arith.subf %reduce_sum3A_2, %reduce_sum3A_7 : vector<261xf32>
    %add3A = arith.addf %sub3A, %concatenate3A : vector<261xf32>
    %get3A_9 = arith.constant 0 : index
    %get3A_10 = vector.load %arg2[%get3A_9] : memref<261xf32, #tpu.memory_space<vmem>>, vector<261xf32>
    %mul3A = arith.mulf %add3A, %get3A_10 : vector<261xf32>
    %max3A = arith.constant 0.000000e+00 : f32
    %max3A_11 = vector.broadcast %max3A : f32 to vector<261xf32>
    %max3A_12 = arith.maximumf %mul3A, %max3A_11 : vector<261xf32>
    %swap3A = arith.constant 0 : index
    %swap3A_13 = vector.load %arg3[%swap3A] : memref<261xf32, #tpu.memory_space<vmem>>, vector<261xf32>
    tpu.vector_store %arg3[%swap3A], %max3A_12 {strides = array<i32>} : memref<261xf32, #tpu.memory_space<vmem>>, vector<261xf32>,
    return
  }
}

</mosaic_0001>

<sc_bundles>
// kernel: kernel.4.cloned.1.call-start
scs
__scs_entry_jumppad:
0x0: {  	(pc) =	sbr.rel $0x88, $3  }
0x1: {  	(tag) =	ssettag $0x0;
	lr =	simm.s32 $0x1  }
0x2: {  	[smem:$0x3FA0] =	sst lr;
	_ =	strace $0xD0000000  }
0x3: {  	_ = 	snop  }
0x4: {  	_ = 	snop  }
0x5: {  	_ = 	snop  }
0x6: {  	_ = 	snop  }
0x7: {  	_ = 	snop  }
__scs_overlays_trampoline_lowered:
0x8: {  	[smem:$0x3FAF] =	sst s0  }
0x9: {  	[smem:$0x3FB0] =	sst s1  }
0xa: {  	[smem:$0x3FB1] =	sst s2  }
0xb: {  	[smem:$0x3FB2] =	sst s3  }
0xc: {  	[smem:$0x3FB3] =	sst s4  }
0xd: {  	[smem:$0x3FB4] =	sst s5  }
0xe: {  	[smem:$0x3FB5] =	sst s6  }
0xf: {  	[smem:$0x3FB6] =	sst s7  }
0x10: {  	[smem:$0x3FB7] =	sst s8  }
0x11: {  	[smem:$0x3FB8] =	sst s9;
	s0 =	simm.s32 @!p0 $0x0  }
0x12: {  	s1 =	sld [smem:$0x3F9E];
	s0 =	simm.s32 @p0 $0x1  }
0x13: {  	[smem:$0x3FB9] =	sst s0;
	s0 =	simm.s32 @!p1 $0x0  }
0x14: {  	s2 =	sld [smem:$0x3F9D];
	s0 =	simm.s32 @p1 $0x1  }
0x15: {  	[smem:$0x3FBA] =	sst s0;
	s0 =	simm.s32 @!p2 $0x0  }
0x16: {  	s3 =	sld [smem:$0x3FDB];
	s0 =	simm.s32 @p2 $0x1  }
0x17: {  	s4 =	simm.s32 $0x1BF5;
	[smem:$0x3FBC] =	sst s0  }
0x18: {  	s0 =	sld [smem:$0x3F9F];
	_ =	swait.ge [sflag:s4], $0x0  }
0x19: {  	s7 =	sld [smem:$0x3FA0]  }
0x1a: {  	s8 =	sadd.s32 $0xFFFFE003, lr  }
0x1b: {  	s9 =	sadd.s32 $0xFFFFFEF7, lr;
	s5 =	simm.s32 $0xFFFFFFFF;
	p2 =	slt.u32 s8, $0xFFFFF086  }
0x1c: {  	p1 =	slt.u32 s9, $0xF7A;
	s5 =	simm.s32 @!p2 $0x0  }
0x1d: {  	s5 =	simm.s32 @p1 $0x1;
	p0 =	seq.s32 s7, s2  }
0x1e: {  	s7 =	smul.u32 @!p0 $0xF7A, s2;
	p2 =	seq.s32 @!p0 s5, $0x0  }
0x1f: {  	s9 =	smul.u32 $0xF7A, s1;
	s8 =	simm.s32 @!p0 $0x1BF5;
	p2 =	por !p2, p0  }
0x20: {  	[sflag:s8] =	ssyncset.s32 @!p0 $0xFFFFF086;
	s6 =	sadd.s32 @!p0 s3, s7;
	s7 =	simm.s32 @!p0 $0x108  }
0x21: {  	s3 =	sadd.s32 s3, s9;
	s6 =	sadd.s32 @!p0 $0x88, s6;
	s7 =	simm.s32 @p2 $0x1082  }
0x22: {  	[simem:s7], [sflag:s8] =	dma.local @!p0 [hbm:s6], $0xF7A  }
0x23: {  	s9 =	sor.u32 $0xD0000000, s2;
	s6 =	simm.s32 $0x108;
	_ =	swait.ge @!p0 [sflag:s8], $0x0  }
0x24: {  	s3 =	sadd.s32 $0x88, s3;
	s6 =	simm.s32 @!p1 $0x1082;
	[sflag:s4] =	ssyncset.s32 $0xFFFFF086  }
0x25: {  	[simem:s6], [sflag:s4] =	dma.local [hbm:s3], $0xF7A  }
0x26: {  	[smem:$0x3FA0] =	sst s1;
	(tag) =	ssettag s2;
	_ =	strace s9  }
0x27: {  	s1 =	sld [smem:$0x3FB0]  }
0x28: {  	s2 =	sld [smem:$0x3FB1]  }
0x29: {  	s4 =	sld [smem:$0x3FB3]  }
0x2a: {  	p0 =	seq.s32 s5, $0x0;
	s5 =	sld [smem:$0x3FB4]  }
0x2b: {  	s6 =	sld [smem:$0x3FB5]  }
0x2c: {  	s7 =	sld [smem:$0x3FB6]  }
0x2d: {  	s3 =	simm.s32 $0x108;
	s8 =	sld [smem:$0x3FB7]  }
0x2e: {  	s3 =	simm.s32 @!p0 $0x1082;
	s9 =	sld [smem:$0x3FB8]  }
0x2f: {  	lr =	sadd.s32 s0, s3;
	s0 =	sld [smem:$0x3FAF]  }
0x30: {  	s3 =	sld [smem:$0x3FB2]  }
0x31: {  	[smem:$0x3FBB] =	sst s10  }
0x32: {  	s10 =	sld [smem:$0x3FB9];
	_ =	sdelay $0x3  }
0x33: {  	p0 =	seq.s32 s10, $0x1;
	s10 =	sld [smem:$0x3FBB];
	_ =	sdelay $0x3  }
0x34: {  	[smem:$0x3FBB] =	sst s10  }
0x35: {  	s10 =	sld [smem:$0x3FBA];
	_ =	sdelay $0x3  }
0x36: {  	p1 =	seq.s32 s10, $0x1;
	s10 =	sld [smem:$0x3FBB];
	_ =	sdelay $0x3  }
0x37: {  	[smem:$0x3FBB] =	sst s10  }
0x38: {  	s10 =	sld [smem:$0x3FBC]  }
0x39: {  	_ = 	snop;
	(pc) =	sbr.ind lr, $3  }
0x3a: {  	_ = 	snop  }
0x3b: {  	_ = 	snop  }
0x3c: {  	p2 =	seq.s32 s10, $0x1;
	s10 =	sld [smem:$0x3FBB]  }
0x3d: {  	_ =	shalt  }
0x3e: {  	_ =	shalt  }
0x3f: {  	_ =	shalt  }
0x40: {  	_ =	shalt  }
0x41: {  	_ =	shalt  }
0x42: {  	_ =	shalt  }
0x43: {  	_ =	shalt  }
0x44: {  	_ =	shalt  }
0x45: {  	_ =	shalt  }
0x46: {  	_ =	shalt  }
0x47: {  	_ =	shalt  }
0x48: {  	_ =	shalt  }
0x49: {  	_ =	shalt  }
0x4a: {  	_ =	shalt  }
0x4b: {  	_ =	shalt  }
0x4c: {  	_ =	shalt  }
0x4d: {  	_ =	shalt  }
0x4e: {  	_ =	shalt  }
0x4f: {  	_ =	shalt  }
0x50: {  	_ =	shalt  }
0x51: {  	_ =	shalt  }
0x52: {  	_ =	shalt  }
0x53: {  	_ =	shalt  }
0x54: {  	_ =	shalt  }
0x55: {  	_ =	shalt  }
0x56: {  	_ =	shalt  }
0x57: {  	_ =	shalt  }
0x58: {  	_ =	shalt  }
0x59: {  	_ =	shalt  }
0x5a: {  	_ =	shalt  }
0x5b: {  	_ =	shalt  }
0x5c: {  	_ =	shalt  }
0x5d: {  	_ =	shalt  }
0x5e: {  	_ =	shalt  }
0x5f: {  	_ =	shalt  }
0x60: {  	_ =	shalt  }
0x61: {  	_ =	shalt  }
0x62: {  	_ =	shalt  }
0x63: {  	_ =	shalt  }
0x64: {  	_ =	shalt  }
0x65: {  	_ =	shalt  }
0x66: {  	_ =	shalt  }
0x67: {  	_ =	shalt  }
0x68: {  	_ =	shalt  }
0x69: {  	_ =	shalt  }
0x6a: {  	_ =	shalt  }
0x6b: {  	_ =	shalt  }
0x6c: {  	_ =	shalt  }
0x6d: {  	_ =	shalt  }
0x6e: {  	_ =	shalt  }
0x6f: {  	_ =	shalt  }
0x70: {  	_ =	shalt  }
0x71: {  	_ =	shalt  }
0x72: {  	_ =	shalt  }
0x73: {  	_ =	shalt  }
0x74: {  	_ =	shalt  }
0x75: {  	_ =	shalt  }
0x76: {  	_ =	shalt  }
0x77: {  	_ =	shalt  }
0x78: {  	_ =	shalt  }
0x79: {  	_ =	shalt  }
0x7a: {  	_ =	shalt  }
0x7b: {  	_ =	shalt  }
0x7c: {  	_ =	shalt  }
0x7d: {  	_ =	shalt  }
0x7e: {  	_ =	shalt  }
0x7f: {  	_ =	shalt  }
0x80: {  	_ =	shalt  }
0x81: {  	_ =	shalt  }
0x82: {  	_ =	shalt  }
0x83: {  	_ =	shalt  }
0x84: {  	_ =	shalt  }
0x85: {  	_ =	shalt  }
0x86: {  	_ =	shalt  }
0x87: {  	_ =	shalt  }
.Lfunc_end0:
.L_simem_size_0:
called_computation_lowered:
.L_overlay_start_0:
0x88: {  	s2 =	sld [smem:$0x3FD9]  }
0x89: {  	s3 =	sld [smem:$0x3FFE];
	_ =	sdelay $0x1  }
0x8a: {  	s1 =	srdreg.scid  }
0x8b: {  	s0 =	sand.u32 $0x1, s1  }
0x8c: {  	s17 =	sshll.u32 s0, $0xA;
	s2 =	sadd.s32 s3, s2  }
0x8d: {  	s2 =	sadd.s32 s2, s17  }
0x8e: {  	[smem:$0x3FC7] =	sst s2  }
0x8f: {  	_ = 	snop  }
0x90: {  	s2 =	sld [smem:$0x3FC9];
	(tm) =	ssettm $0x1  }
0x91: {  	s18 =	sld [smem:$0x3FFB];
	_ =	sdelay $0x3  }
0x92: {  	_ =	strace s18  }
0x93: {  	s3 =	sld [smem:$0x3FFC];
	_ =	sdelay $0x3  }
0x94: {  	_ =	strace s3  }
0x95: {  	s3 =	sld [smem:$0x3FFD];
	_ =	sdelay $0x3  }
0x96: {  	_ =	strace s3  }
0x97: {  	_ =	strace $0x8FFFFFFF  }
0x98: {  	s19 =	sld [smem:$0x3FDB];
	_ =	sdelay $0x1  }
0x99: {  	s4 =	simm.s32 $_scs_section_size  }
0x9a: {  	s5 =	simm.s32 $_size__tile_overlayer_lowered;
	s6 =	simm.s32 $_tile_overlayer_lowered  }
0x9b: {  	s22 =	simm.s32 $0x1BFF;
	s21 =	sshll.u32 s6, $0x1;
	s3 =	sadd.s32 s4, s19  }
0x9c: {  	s7 =	simm.s32 $0x0;
	s20 =	sshll.u32 s5, $0x1;
	s5 =	sadd.s32 s21, s3  }
0x9d: {  	[timem:s7], [sflag:s22] =	dma.local [hbm:s5], s20  }
0x9e: {  	_ =	swait.ge [sflag:s22], s20  }
0x9f: {  	s4 =	ssub.s32 $0x0, s20;
	[sflag:s22] =	ssyncset.done $0x0  }
0xa0: {  	[sflag:s22] =	ssyncadd.s32 s4;
	_ =	sdelay $0x1  }
0xa1: {  	s23 =	simm.s32 $0x1B8B  }
0xa2: {  	_ =	swait.ge [sflag:s23], $0x1  }
0xa3: {  	[sflag:s23] =	ssyncset.done $0x0  }
0xa4: {  	s25 =	simm.s32 $0x1B8E;
	s24 =	sld [smem:$0x3FFE];
	[sflag:s23] =	ssyncadd.s32 $0xFFFFFFFF  }
0xa5: {  	s26 =	simm.s32 $execute0_lowered;
	[smem:$0x3FD2] =	sst s25  }
0xa6: {  	s5 =	sshll.u32 s26, $0x1;
	_ =	strace $0x80000046;
	[dreg:$0x1] =	wrdreg $0xFFFFFFFF  }
0xa7: {  	s28 =	simm.s32 $_size_execute0_lowered;
	s3 =	sadd.s32 s3, s5;
	[dreg:$0x0] =	wrdreg $0x0  }
0xa8: {  	s5 =	sshll.u32 s28, $0x1;
	[dreg:$0x2] =	wrdreg s3  }
0xa9: {  	[dreg:$0x3] =	wrdreg s5  }
0xaa: {  	[dreg:$0x4] =	wrdreg $0xC0  }
0xab: {  	_ =	task [dreg:s7], $0x5FFFF  }
0xac: {  	[dreg:$0x1] =	wrdreg $0xFFFFFFFF  }
0xad: {  	[dreg:$0x0] =	wrdreg $0x60  }
0xae: {  	[dreg:$0x2] =	wrdreg s2  }
0xaf: {  	[dreg:$0x3] =	wrdreg s24  }
0xb0: {  	[dreg:$0x4] =	wrdreg $0x9  }
0xb1: {  	_ =	task.clear_ibuf [dreg:s7], $0x5FFFF;
	_ =	strace $0x90000046  }
0xb2: {  	s29 =	simm.s32 $0x9;
	_ =	strace $0x80000048  }
0xb3: {  	_ =	swait.ge [sflag:s29], $0x1  }
0xb4: {  	[sflag:s29] =	ssyncadd.s32 $0xFFFFFFFF  }
0xb5: {  	_ =	strace $0x90000048  }
0xb6: {  	_ =	sfence  }
0xb7: {  	s30 =	sld [smem:$0x0];
	_ =	sdelay $0x2  }
0xb8: {  	s31 =	sshll.u32 s1, $0xD;
	s1 =	sshrl.u32 s1, $0x2  }
0xb9: {  	s3 =	sand.u32 $0x4000, s31;
	s1 =	sadd.s32 s1, s30  }
0xba: {  	s0 =	sor.u32 s3, s0;
	s1 =	sshll.u32 s1, $0x11  }
0xbb: {  	s0 =	sor.u32 s1, s0  }
0xbc: {  	s0 =	sadd.s32 $0x8F2B, s0  }
0xbd: {  	[sflag:s0] =	ssyncadd.remote.s32 $0x1  }
0xbe: {  	_ =	sfence.sel $0xFFFF  }
0xbf: {  	[dreg:$0x0] =	wrdreg $0xFFFFFFFF;
	(pc) =	sbr.abs _section_cstart, $3  }
0xc0: {  	[dreg:$0x1] =	wrdreg $0xFFFFFFFF  }
0xc1: {  	_ =	task.clear_ibuf [dreg:s7], $0x2FFFF;
	_ =	strace $0x9FFFFFFF  }
0xc2: {  	(tm) =	ssettm $0x7FFFFFFF  }
0xc3: {  	_ =	shalt  }
tec
execute0_lowered:
.L_overlay_start_1:
0x0: {  	(tag) =	ssettag $0x1  }
0x1: {  	v0 =	vimm.f32 $4.043000000e+03  }
0x2: {  	vm4 =	vcmask $0x300;
	vm8 =	vcmask $0x704;
	vm7 =	vcmask $0xB08  }
0x3: {  	vm6 =	vcmask $0xF0C;
	vm5 =	vcmask $0x1310;
	vm3 =	vcmask $0x1714  }
0x4: {  	vm2 =	vcmask $0x1B18;
	vm0 =	vcmask $0x1F1C;
	v1 =	vimm.f32 $3.915000000e+03  }
0x5: {  	v2 =	vimm.f32 $4.170000000e+03;
	vm1 =	vcmask $0x2320;
	vm10 =	vcmask $0x2724  }
0x6: {  	s0 =	rddreg [dreg:$0x0];
	vm11 =	vcmask $0x2B28;
	vm12 =	vcmask $0x2F2C;
	vm13 =	vcmask $0x3330  }
0x7: {  	s1 =	rddreg [dreg:$0x1];
	vm14 =	vcmask $0x3734;
	vm15 =	vcmask $0x3B38;
	v3 =	vimm.s32 $0x0  }
0x8: {  	s3 =	srdreg.scid;
	s4 =	stileid.u32;
	v0 =	vsel vm4, $0x43000000, v0;
	v1 =	vsel vm4, $0x0, v1;
	v2 =	vsel vm4, $0x437F0000, v2  }
0x9: {  	s2 =	simm.s32 $0x0;
	s15 =	simm.s32 $0x10000;
	s16 =	simm.s32 $0x5;
	v0 =	vsel vm8, $0x43C28000, v0;
	v1 =	vsel vm8, $0x43828000, v1;
	v2 =	vsel vm8, $0x44010000, v2  }
0xa: {  	s17 =	simm.s32 $0x11080;
	s18 =	simm.s32 $0x80;
	s19 =	simm.s32 $0x400;
	v0 =	vsel vm7, $0x44228000, v0;
	v1 =	vsel vm7, $0x44028000, v1;
	v2 =	vsel vm7, $0x44424000, v2  }
0xb: {  	s21 =	simm.s32 $0x8000;
	s28 =	simm.s32 $0x0;
	s5 =	sand.u32 $0x1, s3;
	v0 =	vsel vm6, $0x4463C000, v0;
	v1 =	vsel vm6, $0x4443C000, v1;
	v2 =	vsel vm6, $0x4481C000, v2  }
0xc: {  	s22 =	sshll.u32 s4, $0x1;
	[smem:$0x7FF] =	sst s2;
	s23 =	sshrl.u32 s4, $0x2;
	v0 =	vsel vm5, $0x44928000, v0;
	v1 =	vsel vm5, $0x44828000, v1;
	v2 =	vsel vm5, $0x44A26000, v2  }
0xd: {  	s3 =	sadd.s32 $0xC00, s1;
	s4 =	sadd.s32 $0x600, s1;
	s6 =	sor.u32 s5, s22;
	v0 =	vsel vm3, $0x44B32000, v0;
	v1 =	vsel vm3, $0x44A32000, v1;
	v2 =	vsel vm3, $0x44C30000, v2  }
0xe: {  	_ =	strace $0x80000047;
	s7 =	smul.u32 $0x10800, s23;
	s24 =	ssub.s32 $0x2, s5;
	v0 =	vsel vm2, $0x44D3C000, v0;
	v1 =	vsel vm2, $0x44C3C000, v1;
	v2 =	vsel vm2, $0x44E3A000, v2  }
0xf: {  	s22 =	simm.s32 $0xC000;
	s23 =	simm.s32 $0x1;
	s8 =	sshll.u32 s6, $0x7;
	v0 =	vsel vm0, $0x44F46000, v0;
	v1 =	vsel vm0, $0x44E46000, v1;
	v2 =	vsel vm0, $0x45022000, v2  }
0x10: {  	s25 =	sshll.u32 s6, $0x12;
	s29 =	sshrl.u32 s24, $0x1;
	s8 =	sand.u32 $0x380, s8;
	v0 =	vsel vm1, $0x450A8000, v0;
	v1 =	vsel vm1, $0x45028000, v1;
	v2 =	vsel vm1, $0x45127000, v2  }
0x11: {  	s5 =	sadd.s32 s0, s25;
	s31 =	ssub.s32 s24, s29;
	s24 =	simm.s32 $0x2;
	v0 =	vsel vm10, $0x451AD000, v0;
	v1 =	vsel vm10, $0x4512D000, v1;
	v2 =	vsel vm10, $0x4522C000, v2  }
.Ltmp0:
0x12: {  	s25 =	simm.s32 $0x3;
	s7 =	sor.u32 s7, s8;
	v0 =	vsel vm11, $0x452B2000, v0;
	v1 =	vsel vm11, $0x45232000, v1;
	v2 =	vsel vm11, $0x45331000, v2;
	(pc) =	sbr.rel .LBB2_1-.Ltmp0, $4  }
0x13: {  	s6 =	sadd.s32 $0x4000, s5;
	s8 =	sadd.s32 $0xC000, s5;
	s9 =	sadd.s32 $0x10000, s5;
	v0 =	vsel vm12, $0x453B7000, v0;
	v1 =	vsel vm12, $0x45337000, v1;
	v2 =	vsel vm12, $0x45436000, v2  }
0x14: {  	s10 =	sadd.s32 $0x14000, s5;
	s11 =	sadd.s32 $0x18000, s5;
	s26 =	sshrl.u32 s7, $0x3;
	v0 =	vsel vm13, $0x454BC000, v0;
	v1 =	vsel vm13, $0x4543C000, v1;
	v2 =	vsel vm13, $0x4553B000, v2  }
0x15: {  	s12 =	sadd.s32 $0x1C000, s5;
	s14 =	smax.u32 s31, $0x1;
	s30 =	sadd.s32 s26, s1;
	v0 =	vsel vm14, $0x455C1000, v0;
	v1 =	vsel vm14, $0x45541000, v1;
	v2 =	vsel vm14, $0x45640000, v2  }
0x16: {  	s7 =	sadd.s32 $0x8000, s5;
	s26 =	simm.s32 $0x4;
	s13 =	sadd.s32 $0x1000, s30;
	v0 =	vsel vm15, $0x456C6000, v0;
	v1 =	vsel vm15, $0x45646000, v1;
	v2 =	vsel vm15, $0x45745000, v2  }
.LBB2_28:
0x17: {  	s28 =	sadd.s32 $0x1, s28  }
0x18: {  	p0 =	sne.s32 s28, s14  }
.Ltmp1:
0x19: {  	_ = 	snop;
	(pc) =	sbr.rel @!p0 .LBB2_29-.Ltmp1, $4  }
0x1a: {  	[hbm4b:s13+s18] =	stream.strided.scatter [tilespmem:s17], [sflag:$0x5], $0x2100, s19, s18, $0x38;
	[tilespmem:$0x13180] =	vst v63  }
0x1b: {  	_ =	swait.ge [sflag:s16], $0x2100  }
0x1c: {  	[sflag:s16] =	ssyncset.done $0x0  }
0x1d: {  	[sflag:s16] =	ssyncadd.s32 $0xFFFFDF00  }
.LBB2_1:
0x1e: {  	[tilespmem:s15], [sflag:$0x5] =	stream.linear.gather [hbm4b:s3+s2], $0x1080, $0x38;
	[tilespmem:$0x13180] =	vst v63  }
0x1f: {  	_ =	swait.ge [sflag:s16], $0x1080  }
0x20: {  	[sflag:s16] =	ssyncset.done $0x0  }
0x21: {  	[sflag:s16] =	ssyncadd.s32 $0xFFFFEF80  }
0x22: {  	[tilespmem:s17], [sflag:$0x5] =	stream.linear.gather [hbm4b:s4+s2], $0x2100, $0x38;
	[tilespmem:$0x13180] =	vst v63  }
0x23: {  	_ =	swait.ge [sflag:s16], $0x2100  }
0x24: {  	[sflag:s16] =	ssyncset.done $0x0  }
0x25: {  	[sflag:s16] =	ssyncadd.s32 $0xFFFFDF00  }
0x26: {  	[tilespmem:s2], [sflag:$0x1] =	stream.strided.gather [hbm4b:s5+s18], $0x4000, s19, s18, $0x38;
	[tilespmem:$0x13180] =	vst v63  }
0x27: {  	s0 =	simm.s32 $0x4000  }
0x28: {  	[tilespmem:s0], [sflag:$0x2] =	stream.strided.gather [hbm4b:s6+s18], $0x4000, s19, s18, $0x38;
	[tilespmem:$0x13180] =	vst v63  }
0x29: {  	_ = 	snop  }
0x2a: {  	[tilespmem:s21], [sflag:$0x3] =	stream.strided.gather [hbm4b:s7+s18], $0x4000, s19, s18, $0x38;
	[tilespmem:$0x13180] =	vst v63  }
0x2b: {  	s29 =	simm.s32 $0x0  }
0x2c: {  	[tilespmem:s22], [sflag:$0x4] =	stream.strided.gather [hbm4b:s8+s18], $0x4000, s19, s18, $0x38;
	[tilespmem:$0x13180] =	vst v63  }
.LBB2_2:
0x2d: {  	_ =	swait.ge [sflag:s23], $0x4000  }
0x2e: {  	[sflag:s23] =	ssyncset.done $0x0  }
0x2f: {  	s0 =	simm.s32 $0x40;
	[sflag:s23] =	ssyncadd.s32 $0xFFFFC000  }
0x30: {  	v4 =	vld [tilespmem:s0+$0x30]  }
0x31: {  	v5 =	vld [tilespmem:s0+$0xFFFFFFD0]  }
0x32: {  	v6 =	vld [tilespmem:s0+$0xFFFFFFE0]  }
0x33: {  	v7 =	vld [tilespmem:s0+$0xFFFFFFF0]  }
0x34: {  	v8 =	vld [tilespmem:s0+$0x0]  }
0x35: {  	v9 =	vld [tilespmem:s0+$0x10]  }
0x36: {  	s20 =	simm.s32 $0xC0;
	v11 =	vld [tilespmem:s0+$0xFFFFFFC0]  }
0x37: {  	v21 =	vld [tilespmem:s20+$0x30]  }
0x38: {  	v32 =	vld [tilespmem:s20+$0x20];
	v4 =	vmul.f32 $2.133333400e+01, v4  }
0x39: {  	v10 =	vld [tilespmem:s0+$0x20];
	v5 =	vmul.f32 $2.133333400e+01, v5;
	v6 =	vmul.f32 $2.133333400e+01, v6  }
0x3a: {  	v7 =	vmul.f32 $2.133333400e+01, v7;
	v8 =	vmul.f32 $2.133333400e+01, v8  }
0x3b: {  	v9 =	vmul.f32 $2.133333400e+01, v9;
	v11 =	vmul.f32 $2.133333400e+01, v11  }
0x3c: {  	v21 =	vmul.f32 $2.133333400e+01, v21;
	v4 =	vadd.f32 v0, v4;
	v5 =	vadd.f32 v0, v5  }
0x3d: {  	v32 =	vmul.f32 $2.133333400e+01, v32;
	v6 =	vadd.f32 v0, v6;
	v7 =	vadd.f32 v0, v7  }
0x3e: {  	v12 =	vadd.f32 v0, v8;
	v8 =	vmul.f32 $2.133333400e+01, v10;
	v9 =	vadd.f32 v0, v9  }
0x3f: {  	v21 =	vadd.f32 v0, v21;
	v32 =	vadd.f32 v0, v32;
	v4 =	vmax.f32 v4, v1  }
0x40: {  	v5 =	vmax.f32 v5, v1;
	v6 =	vmax.f32 v6, v1;
	v7 =	vmax.f32 v7, v1  }
0x41: {  	v9 =	vmax.f32 v9, v1;
	v21 =	vmax.f32 v21, v1;
	v4 =	vmin.f32 v4, v2  }
0x42: {  	v5 =	vmin.f32 v5, v2;
	v6 =	vmin.f32 v6, v2;
	v10 =	vmul.f32 $5.120000000e+02, v4  }
0x43: {  	v7 =	vmin.f32 v7, v2;
	v4 =	vtrunc.f32 v4;
	v14 =	vmul.f32 $5.120000000e+02, v5  }
0x44: {  	v9 =	vmin.f32 v9, v2;
	v15 =	vmul.f32 $5.120000000e+02, v6;
	v16 =	vmul.f32 $5.120000000e+02, v7  }
0x45: {  	v32 =	vmax.f32 v32, v1;
	v18 =	vmul.f32 $5.120000000e+02, v9;
	v5 =	vtrunc.f32 v5  }
0x46: {  	v21 =	vmin.f32 v21, v2;
	v6 =	vtrunc.f32 v6;
	v7 =	vtrunc.f32 v7  }
0x47: {  	v32 =	vmin.f32 v32, v2;
	v9 =	vtrunc.f32 v9;
	v62 =	vmul.f32 $5.120000000e+02, v21  }
0x48: {  	v21 =	vtrunc.f32 v21;
	v43 =	vmul.f32 $5.120000000e+02, v32  }
0x49: {  	v13 =	vadd.f32 v0, v8;
	v8 =	vcvt.f32.s32 v4;
	v23 =	vcvt.f32.s32 v5  }
0x4a: {  	v25 =	vcvt.f32.s32 v6;
	v26 =	vcvt.f32.s32 v7  }
0x4b: {  	v36 =	vcvt.f32.s32 v21;
	v4 =	vadd.f32 $1.048576000e+06, v10;
	v10 =	vadd.f32 v0, v11  }
0x4c: {  	v11 =	vmax.f32 v12, v1;
	v14 =	vadd.f32 $1.048576000e+06, v14;
	v15 =	vadd.f32 $1.048576000e+06, v15  }
0x4d: {  	v12 =	vmax.f32 v13, v1;
	v16 =	vadd.f32 $1.048576000e+06, v16;
	v18 =	vadd.f32 $1.048576000e+06, v18  }
0x4e: {  	v11 =	vmin.f32 v11, v2;
	v12 =	vmin.f32 v12, v2;
	v4 =	vtrunc.f32 v4  }
0x4f: {  	v21 =	vadd.f32 $1.048576000e+06, v62;
	v17 =	vmul.f32 $5.120000000e+02, v11;
	v19 =	vmul.f32 $5.120000000e+02, v12  }
0x50: {  	v43 =	vadd.f32 $1.048576000e+06, v43;
	v11 =	vtrunc.f32 v11;
	v12 =	vtrunc.f32 v12  }
0x51: {  	v20 =	vshll.u32 v8, $0x9;
	v14 =	vtrunc.f32 v14;
	v15 =	vtrunc.f32 v15  }
0x52: {  	v24 =	vshll.u32 v23, $0x9;
	v16 =	vtrunc.f32 v16;
	v18 =	vtrunc.f32 v18  }
0x53: {  	v7 =	vld [tilespmem:s20+$0xFFFFFFE0];
	v27 =	vshll.u32 v25, $0x9;
	v21 =	vtrunc.f32 v21;
	v4 =	vcvt.f32.s32 v4  }
0x54: {  	v29 =	vshll.u32 v26, $0x9;
	v11 =	vcvt.f32.s32 v11;
	v5 =	vcvt.f32.s32 v12  }
0x55: {  	v10 =	vmax.f32 v10, v1;
	v28 =	vcvt.f32.s32 v15;
	v16 =	vcvt.f32.s32 v16  }
0x56: {  	v10 =	vmin.f32 v10, v2;
	v33 =	vcvt.f32.s32 v18;
	v21 =	vcvt.f32.s32 v21  }
0x57: {  	v6 =	vld [tilespmem:s20+$0xFFFFFFD0];
	v63 =	vshll.u32 v36, $0x9;
	v13 =	vmul.f32 $5.120000000e+02, v10;
	v10 =	vtrunc.f32 v10  }
0x58: {  	v15 =	vld [tilespmem:s20+$0x10];
	v17 =	vadd.f32 $1.048576000e+06, v17;
	v19 =	vadd.f32 $1.048576000e+06, v19;
	v35 =	vmul.f32 $2.133333400e+01, v7  }
0x59: {  	v18 =	vld [tilespmem:s20+$0xFFFFFFC0];
	v10 =	vcvt.f32.s32 v10;
	v20 =	vsub.s32 v4, v20;
	v4 =	vcvt.f32.s32 v9  }
0x5a: {  	v31 =	vshll.u32 v11, $0x9;
	v7 =	vshll.u32 v5, $0x9;
	v17 =	vtrunc.f32 v17  }
0x5b: {  	v9 =	vld [tilespmem:s20+$0xFFFFFFF0];
	v13 =	vadd.f32 $1.048576000e+06, v13;
	v19 =	vtrunc.f32 v19;
	v30 =	vcvt.f32.s32 v17  }
0x5c: {  	v22 =	vshll.u32 v10, $0x9;
	v17 =	vmul.f32 $2.133333400e+01, v6;
	v6 =	vcvt.f32.s32 v19  }
0x5d: {  	v19 =	vadd.f32 v0, v35;
	v13 =	vtrunc.f32 v13;
	v15 =	vmul.f32 $2.133333400e+01, v15  }
0x5e: {  	v35 =	vsub.s32 v21, v63;
	v18 =	vmul.f32 $2.133333400e+01, v18;
	v12 =	vcvt.f32.s32 v13  }
0x5f: {  	[tilespmem:v8+s15+$0x0] =	vst.idx.add.s32.msk $0xffff, v20;
	v13 =	vcvt.f32.s32 v14;
	v17 =	vadd.f32 v0, v17;
	v19 =	vmax.f32 v19, v1  }
0x60: {  	v14 =	vld [tilespmem:s20+$0x0];
	v9 =	vmul.f32 $2.133333400e+01, v9;
	v15 =	vadd.f32 v0, v15;
	v18 =	vadd.f32 v0, v18  }
0x61: {  	v19 =	vmin.f32 v19, v2;
	v17 =	vmax.f32 v17, v1;
	v8 =	vsub.s32 v12, v22  }
0x62: {  	v9 =	vadd.f32 v0, v9;
	v18 =	vmax.f32 v18, v1;
	v15 =	vmax.f32 v15, v1  }
0x63: {  	v34 =	vshll.u32 v4, $0x9;
	v17 =	vmin.f32 v17, v2;
	[tilespmem:v10+s15+$0x0] =	vst.idx.add.s32.msk $0xffff, v8;
	v8 =	vsub.s32 v13, v24  }
0x64: {  	v13 =	vtrunc.f32 v43;
	v18 =	vmin.f32 v18, v2;
	v37 =	vmul.f32 $5.120000000e+02, v17  }
0x65: {  	v15 =	vmin.f32 v15, v2;
	v20 =	vtrunc.f32 v17;
	v14 =	vmul.f32 $2.133333400e+01, v14  }
0x66: {  	[tilespmem:v23+s15+$0x0] =	vst.idx.add.s32.msk $0xffff, v8;
	v8 =	vsub.s32 v28, v27;
	v21 =	vmul.f32 $5.120000000e+02, v18;
	v41 =	vmul.f32 $5.120000000e+02, v15  }
0x67: {  	v9 =	vmax.f32 v9, v1;
	v44 =	vtrunc.f32 v18;
	v15 =	vtrunc.f32 v15;
	[tilespmem:v25+s15+$0x0] =	vst.idx.add.s32.msk $0xffff, v8  }
0x68: {  	v8 =	vsub.s32 v16, v29;
	v9 =	vmin.f32 v9, v2;
	v14 =	vadd.f32 v0, v14  }
0x69: {  	v37 =	vadd.f32 $1.048576000e+06, v37;
	[tilespmem:v26+s15+$0x0] =	vst.idx.add.s32.msk $0xffff, v8;
	v8 =	vcvt.f32.s32 v44;
	v38 =	vadd.f32 $1.048576000e+06, v21  }
0x6a: {  	v21 =	vmul.f32 $5.120000000e+02, v19;
	v39 =	vmul.f32 $5.120000000e+02, v9;
	v14 =	vmax.f32 v14, v1  }
0x6b: {  	v41 =	vadd.f32 $1.048576000e+06, v41;
	v22 =	vtrunc.f32 v37;
	v14 =	vmin.f32 v14, v2  }
0x6c: {  	v42 =	vadd.f32 $1.048576000e+06, v21;
	v21 =	vtrunc.f32 v19;
	v40 =	vmul.f32 $5.120000000e+02, v14  }
0x6d: {  	v39 =	vadd.f32 $1.048576000e+06, v39;
	v19 =	vtrunc.f32 v9;
	v24 =	vtrunc.f32 v38  }
0x6e: {  	v12 =	vtrunc.f32 v41;
	v17 =	vtrunc.f32 v14;
	v40 =	vadd.f32 $1.048576000e+06, v40  }
0x6f: {  	[tilespmem:v36+s15+$0x0] =	vst.idx.add.s32.msk $0xffff, v35;
	v9 =	vsub.s32 v30, v31;
	v14 =	vtrunc.f32 v32;
	v23 =	vtrunc.f32 v42  }
0x70: {  	s30 =	simm.s32 $0x8;
	s31 =	simm.s32 $0x140;
	v25 =	vsub.s32 v33, v34;
	[tilespmem:v11+s15+$0x0] =	vst.idx.add.s32.msk $0xffff, v9;
	v18 =	vtrunc.f32 v39;
	v16 =	vtrunc.f32 v40  }
.LBB2_3:
0x71: {  	v26 =	vld [tilespmem:s31+$0x30];
	s30 =	sadd.s32 $0x8, s30;
	v27 =	vcvt.f32.s32 v20;
	v10 =	vcvt.f32.s32 v21;
	v20 =	vsub.s32 v6, v7  }
0x72: {  	v11 =	vcvt.f32.s32 v19;
	v9 =	vcvt.f32.s32 v17;
	v6 =	vld [tilespmem:s31+$0xFFFFFFD0];
	p0 =	slt.u32 s30, $0x3F8;
	v28 =	vshll.u32 v8, $0x9  }
0x73: {  	v15 =	vcvt.f32.s32 v15;
	v14 =	vcvt.f32.s32 v14;
	v7 =	vld [tilespmem:s31+$0xFFFFFFE0];
	v29 =	vshll.u32 v27, $0x9  }
0x74: {  	v24 =	vcvt.f32.s32 v24;
	v22 =	vcvt.f32.s32 v22;
	v30 =	vshll.u32 v10, $0x9;
	v17 =	vld [tilespmem:s31+$0xFFFFFFF0]  }
0x75: {  	v23 =	vcvt.f32.s32 v23;
	v31 =	vcvt.f32.s32 v18;
	v32 =	vshll.u32 v11, $0x9;
	v19 =	vld [tilespmem:s31+$0x0]  }
0x76: {  	v33 =	vshll.u32 v9, $0x9;
	v18 =	vld [tilespmem:s31+$0x10];
	v21 =	vmul.f32 $2.133333400e+01, v26;
	v26 =	vcvt.f32.s32 v16  }
0x77: {  	v35 =	vcvt.f32.s32 v12;
	v36 =	vshll.u32 v15, $0x9;
	v16 =	vmul.f32 $2.133333400e+01, v6;
	v34 =	vld [tilespmem:s31+$0x20]  }
0x78: {  	v6 =	vcvt.f32.s32 v13;
	v12 =	vld [tilespmem:s31+$0xFFFFFFC0];
	v37 =	vmul.f32 $2.133333400e+01, v7;
	v21 =	vadd.f32 v0, v21  }
0x79: {  	v7 =	vshll.u32 v14, $0x9;
	v13 =	vadd.f32 v0, v16;
	v16 =	vmul.f32 $2.133333400e+01, v17;
	[tilespmem:v4+s15+$0x0] =	vst.idx.add.s32.msk $0xffff, v25;
	v4 =	vmovc v15  }
0x7a: {  	v15 =	vadd.f32 v0, v37;
	v17 =	vmul.f32 $2.133333400e+01, v19;
	v19 =	vmax.f32 v21, v1;
	[tilespmem:v5+s15+$0x0] =	vst.idx.add.s32.msk $0xffff, v20  }
0x7b: {  	v5 =	vmovc v14;
	v16 =	vadd.f32 v0, v16;
	v18 =	vmul.f32 $2.133333400e+01, v18;
	v19 =	vmin.f32 v19, v2  }
0x7c: {  	v14 =	vadd.f32 v0, v17;
	v17 =	vmul.f32 $2.133333400e+01, v34;
	v20 =	vmul.f32 $5.120000000e+02, v19  }
0x7d: {  	v19 =	vtrunc.f32 v19;
	v12 =	vmul.f32 $2.133333400e+01, v12;
	v18 =	vadd.f32 v0, v18  }
0x7e: {  	v19 =	vcvt.f32.s32 v19;
	v17 =	vadd.f32 v0, v17;
	v20 =	vadd.f32 $1.048576000e+06, v20  }
0x7f: {  	v13 =	vmax.f32 v13, v1;
	v15 =	vmax.f32 v15, v1;
	v12 =	vadd.f32 v0, v12  }
0x80: {  	v16 =	vmax.f32 v16, v1;
	v14 =	vmax.f32 v14, v1;
	v20 =	vtrunc.f32 v20  }
0x81: {  	v18 =	vmax.f32 v18, v1;
	v12 =	vmax.f32 v12, v1;
	v20 =	vcvt.f32.s32 v20  }
0x82: {  	v21 =	vshll.u32 v19, $0x9;
	v17 =	vmax.f32 v17, v1;
	v12 =	vmin.f32 v12, v2  }
0x83: {  	v13 =	vmin.f32 v13, v2;
	v15 =	vmin.f32 v15, v2;
	v20 =	vsub.s32 v20, v21  }
0x84: {  	v16 =	vmin.f32 v16, v2;
	v14 =	vmin.f32 v14, v2;
	v21 =	vmul.f32 $5.120000000e+02, v12;
	[tilespmem:v19+s15+$0x0] =	vst.idx.add.s32.msk $0xffff, v20  }
0x85: {  	v18 =	vmin.f32 v18, v2;
	v25 =	vmin.f32 v17, v2;
	v19 =	vmul.f32 $5.120000000e+02, v13  }
0x86: {  	v17 =	vmul.f32 $5.120000000e+02, v15;
	v20 =	vmul.f32 $5.120000000e+02, v16;
	v34 =	vadd.f32 $1.048576000e+06, v21  }
0x87: {  	v21 =	vmul.f32 $5.120000000e+02, v18;
	v37 =	vadd.f32 $1.048576000e+06, v19;
	v19 =	vmul.f32 $5.120000000e+02, v14  }
0x88: {  	v38 =	vadd.f32 $1.048576000e+06, v17;
	v17 =	vmul.f32 $5.120000000e+02, v25;
	v39 =	vadd.f32 $1.048576000e+06, v20  }
0x89: {  	v40 =	vtrunc.f32 v12;
	v41 =	vadd.f32 $1.048576000e+06, v21;
	v12 =	vadd.f32 $1.048576000e+06, v19  }
0x8a: {  	v20 =	vtrunc.f32 v13;
	v13 =	vadd.f32 $1.048576000e+06, v17;
	v21 =	vtrunc.f32 v15  }
0x8b: {  	v17 =	vtrunc.f32 v14;
	v19 =	vtrunc.f32 v16;
	v16 =	vsub.s32 v24, v28  }
.Ltmp2:
0x8c: {  	v14 =	vtrunc.f32 v25;
	v15 =	vtrunc.f32 v18;
	[tilespmem:v8+s15+$0x0] =	vst.idx.add.s32.msk $0xffff, v16;
	v8 =	vsub.s32 v22, v29;
	(pc) =	sbr.rel @p0 .LBB2_3-.Ltmp2, $4  }
0x8d: {  	v24 =	vtrunc.f32 v34;
	v22 =	vtrunc.f32 v37;
	[tilespmem:v27+s15+$0x0] =	vst.idx.add.s32.msk $0xffff, v8;
	v8 =	vsub.s32 v23, v30  }
0x8e: {  	v18 =	vtrunc.f32 v39;
	v23 =	vtrunc.f32 v38;
	[tilespmem:v10+s15+$0x0] =	vst.idx.add.s32.msk $0xffff, v8;
	v8 =	vsub.s32 v31, v32  }
0x8f: {  	v16 =	vtrunc.f32 v12;
	v12 =	vtrunc.f32 v41;
	v10 =	vsub.s32 v26, v33;
	[tilespmem:v11+s15+$0x0] =	vst.idx.add.s32.msk $0xffff, v8  }
0x90: {  	s31 =	sadd.s32 $0x80, s31;
	v25 =	vsub.s32 v35, v36;
	v13 =	vtrunc.f32 v13;
	v8 =	vcvt.f32.s32 v40;
	[tilespmem:v9+s15+$0x0] =	vst.idx.add.s32.msk $0xffff, v10  }
0x91: {  	_ = 	snop  }
0x92: {  	v9 =	vcvt.f32.s32 v20;
	v10 =	vcvt.f32.s32 v21  }
0x93: {  	v6 =	vsub.s32 v6, v7;
	v7 =	vcvt.f32.s32 v19;
	v17 =	vcvt.f32.s32 v17  }
0x94: {  	v61 =	vcvt.f32.s32 v24;
	v15 =	vcvt.f32.s32 v15  }
0x95: {  	v62 =	vcvt.f32.s32 v22;
	[tilespmem:v4+s15+$0x0] =	vst.idx.add.s32.msk $0xffff, v25;
	v4 =	vcvt.f32.s32 v14;
	v11 =	vshll.u32 v8, $0x9  }
0x96: {  	v63 =	vcvt.f32.s32 v23;
	[tilespmem:v5+s15+$0x0] =	vst.idx.add.s32.msk $0xffff, v6;
	v20 =	vshll.u32 v9, $0x9;
	v5 =	vsub.s32 v61, v11  }
0x97: {  	v6 =	vshll.u32 v10, $0x9;
	v11 =	vcvt.f32.s32 v18;
	[tilespmem:v8+s15+$0x0] =	vst.idx.add.s32.msk $0xffff, v5;
	v5 =	vsub.s32 v62, v20  }
0x98: {  	v16 =	vcvt.f32.s32 v16;
	v8 =	vshll.u32 v7, $0x9;
	[tilespmem:v9+s15+$0x0] =	vst.idx.add.s32.msk $0xffff, v5;
	v5 =	vsub.s32 v63, v6  }
0x99: {  	v6 =	vshll.u32 v17, $0x9;
	v9 =	vcvt.f32.s32 v12;
	[tilespmem:v10+s15+$0x0] =	vst.idx.add.s32.msk $0xffff, v5;
	v5 =	vsub.s32 v11, v8  }
0x9a: {  	v8 =	vshll.u32 v15, $0x9;
	v10 =	vcvt.f32.s32 v13;
	[tilespmem:v7+s15+$0x0] =	vst.idx.add.s32.msk $0xffff, v5;
	v5 =	vsub.s32 v16, v6  }
0x9b: {  	v6 =	vshll.u32 v4, $0x9;
	[tilespmem:v17+s15+$0x0] =	vst.idx.add.s32.msk $0xffff, v5;
	v5 =	vsub.s32 v9, v8  }
0x9c: {  	v6 =	vsub.s32 v10, v6;
	[tilespmem:v15+s15+$0x0] =	vst.idx.add.s32.msk $0xffff, v5  }
0x9d: {  	s0 =	simm.s32 $0x0;
	[tilespmem:v4+s15+$0x0] =	vst.idx.add.s32.msk $0xffff, v6  }
0x9e: {  	v4 =	vld [tilespmem:s0+$0x10020];
	_ =	sdelay $0x3  }
0x9f: {  	v8 =	vld [tilespmem:s0+$0x10000]  }
0xa0: {  	v5 =	vshrl.u32 v4, $0x14;
	v7 =	vand.u32 $0xFFFFF, v4;
	v4 =	vld [tilespmem:s0+$0x10010];
	_ =	sdelay $0x2  }
0xa1: {  	v6 =	vcvt.s32.f32 v5;
	v7 =	vcvt.s32.f32 v7  }
0xa2: {  	s30 =	simm.s32 $0x0;
	s1 =	simm.s32 $0xC0;
	v5 =	vshrl.u32 v8, $0x14;
	v8 =	vand.u32 $0xFFFFF, v8  }
.LBB2_5:
0xa3: {  	s20 =	sshra.s32 s1, $0x2;
	s30 =	sadd.s32 $0x3, s30;
	v8 =	vcvt.s32.f32 v8;
	v9 =	vand.u32 $0xFFFFF, v4;
	[tilespmem:s0+$0x110A0] =	vst.add.f32.msk $0xffff, v6;
	v6 =	vmul.f32 $1.953125000e-03, v7  }
0xa4: {  	v5 =	vcvt.s32.f32 v5;
	v4 =	vshrl.u32 v4, $0x14;
	v7 =	vld [tilespmem:s20+$0x10020];
	p0 =	slt.u32 s30, $0x102;
	v9 =	vcvt.s32.f32 v9  }
0xa5: {  	s31 =	simm.s32 $0x10020;
	v10 =	vcvt.s32.f32 v4;
	v8 =	vmul.f32 $1.953125000e-03, v8;
	[tilespmem:s0+$0x120F0] =	vst.add.f32.msk $0xffff, v6  }
0xa6: {  	v11 =	vld [tilespmem:s20+$0x10000];
	v6 =	vmul.f32 $1.953125000e-03, v9  }
.Ltmp3:
0xa7: {  	v4 =	vld [tilespmem:s20+$0x10010];
	(pc) =	sbr.rel @p0 .LBB2_5-.Ltmp3, $4  }
0xa8: {  	[tilespmem:s0+$0x120D0] =	vst.add.f32.msk $0xffff, v8  }
0xa9: {  	v8 =	vshrl.u32 v7, $0x14;
	v7 =	vand.u32 $0xFFFFF, v7;
	[tilespmem:s0+$0x120E0] =	vst.add.f32.msk $0xffff, v6  }
0xaa: {  	v6 =	vcvt.s32.f32 v8;
	v7 =	vcvt.s32.f32 v7;
	[tilespmem:s0+$0x11080] =	vst.add.f32.msk $0xffff, v5  }
0xab: {  	s1 =	sadd.s32 $0xC0, s1;
	v5 =	vshrl.u32 v11, $0x14;
	v8 =	vand.u32 $0xFFFFF, v11;
	[tilespmem:s0+$0x11090] =	vst.add.f32.msk $0xffff, v10;
	s0 =	smov.u32 s20  }
0xac: {  	v8 =	vcvt.s32.f32 v8;
	v7 =	vmul.f32 $1.953125000e-03, v7  }
0xad: {  	v9 =	vand.u32 $0xFFFFF, v4;
	[tilespmem:s0+$0x110A0] =	vst.add.f32.msk $0xffff, v6;
	v5 =	vcvt.s32.f32 v5;
	v4 =	vshrl.u32 v4, $0x14  }
0xae: {  	v9 =	vcvt.s32.f32 v9;
	v4 =	vcvt.s32.f32 v4;
	[tilespmem:s0+$0x120F0] =	vst.add.f32.msk $0xffff, v7  }
0xaf: {  	v62 =	vmul.f32 $1.953125000e-03, v8;
	[tilespmem:s0+$0x11080] =	vst.add.f32.msk $0xffff, v5  }
0xb0: {  	v63 =	vmul.f32 $1.953125000e-03, v9;
	[tilespmem:s0+$0x11090] =	vst.add.f32.msk $0xffff, v4  }
0xb1: {  	[tilespmem:s0+$0x120D0] =	vst.add.f32.msk $0xffff, v62  }
0xb2: {  	[tilespmem:s0+$0x120E0] =	vst.add.f32.msk $0xffff, v63  }
0xb3: {  	[tilespmem:s31+$0xFFFFFFE0] =	vst v3  }
0xb4: {  	s0 =	simm.s32 $0x0;
	[tilespmem:s31+$0x0] =	vst v3  }
.LBB2_7:
0xb5: {  	s0 =	sadd.s32 $0x3, s0  }
0xb6: {  	[tilespmem:s31+$0xFFFFFFF0] =	vst v3;
	s31 =	sadd.s32 $0x30, s31;
	p0 =	slt.u32 s0, $0x102  }
.Ltmp4:
0xb7: {  	[tilespmem:s31+$0xFFFFFFE0] =	vst v3;
	(pc) =	sbr.rel @p0 .LBB2_7-.Ltmp4, $2  }
0xb8: {  	_ =	sdelay $0x2  }
0xb9: {  	[tilespmem:s31+$0x0] =	vst v3  }
0xba: {  	s30 =	sshll.u32 s29, $0x10;
	p0 =	seq.s32 s29, $0x3  }
0xbb: {  	s0 =	sadd.s32 @!p0 s30, s9  }
0xbc: {  	[tilespmem:s31+$0xFFFFFFF0] =	vst v3;
	s1 =	simm.s32 @!p0 $0x80;
	s20 =	simm.s32 @!p0 $0x400;
	s31 =	simm.s32 @!p0 $0x0  }
0xbd: {  	[tilespmem:s31], [sflag:$0x1] =	stream.strided.gather @!p0 [hbm4b:s0+s1], $0x4000, s20, s1, $0x38;
	[tilespmem:$0x13180] =	vst v63  }
0xbe: {  	_ =	swait.ge [sflag:s24], $0x4000  }
0xbf: {  	[sflag:s24] =	ssyncset.done $0x0  }
0xc0: {  	s1 =	simm.s32 $0x4040;
	[sflag:s24] =	ssyncadd.s32 $0xFFFFC000  }
0xc1: {  	v4 =	vld [tilespmem:s1+$0x30]  }
0xc2: {  	v5 =	vld [tilespmem:s1+$0xFFFFFFD0]  }
0xc3: {  	v6 =	vld [tilespmem:s1+$0xFFFFFFE0]  }
0xc4: {  	v7 =	vld [tilespmem:s1+$0xFFFFFFF0]  }
0xc5: {  	v8 =	vld [tilespmem:s1+$0x0]  }
0xc6: {  	v9 =	vld [tilespmem:s1+$0x10]  }
0xc7: {  	s20 =	simm.s32 $0x40C0;
	v11 =	vld [tilespmem:s1+$0xFFFFFFC0]  }
0xc8: {  	v21 =	vld [tilespmem:s20+$0x30]  }
0xc9: {  	v32 =	vld [tilespmem:s20+$0x20];
	v4 =	vmul.f32 $2.133333400e+01, v4  }
0xca: {  	v10 =	vld [tilespmem:s1+$0x20];
	v5 =	vmul.f32 $2.133333400e+01, v5;
	v6 =	vmul.f32 $2.133333400e+01, v6  }
0xcb: {  	v7 =	vmul.f32 $2.133333400e+01, v7;
	v8 =	vmul.f32 $2.133333400e+01, v8  }
0xcc: {  	v9 =	vmul.f32 $2.133333400e+01, v9;
	v11 =	vmul.f32 $2.133333400e+01, v11  }
0xcd: {  	v21 =	vmul.f32 $2.133333400e+01, v21;
	v4 =	vadd.f32 v0, v4;
	v5 =	vadd.f32 v0, v5  }
0xce: {  	v32 =	vmul.f32 $2.133333400e+01, v32;
	v6 =	vadd.f32 v0, v6;
	v7 =	vadd.f32 v0, v7  }
0xcf: {  	v12 =	vadd.f32 v0, v8;
	v8 =	vmul.f32 $2.133333400e+01, v10;
	v9 =	vadd.f32 v0, v9  }
0xd0: {  	v21 =	vadd.f32 v0, v21;
	v32 =	vadd.f32 v0, v32;
	v4 =	vmax.f32 v4, v1  }
0xd1: {  	v5 =	vmax.f32 v5, v1;
	v6 =	vmax.f32 v6, v1;
	v7 =	vmax.f32 v7, v1  }
0xd2: {  	v9 =	vmax.f32 v9, v1;
	v21 =	vmax.f32 v21, v1;
	v4 =	vmin.f32 v4, v2  }
0xd3: {  	v5 =	vmin.f32 v5, v2;
	v6 =	vmin.f32 v6, v2;
	v10 =	vmul.f32 $5.120000000e+02, v4  }
0xd4: {  	v7 =	vmin.f32 v7, v2;
	v4 =	vtrunc.f32 v4;
	v14 =	vmul.f32 $5.120000000e+02, v5  }
0xd5: {  	v9 =	vmin.f32 v9, v2;
	v15 =	vmul.f32 $5.120000000e+02, v6;
	v16 =	vmul.f32 $5.120000000e+02, v7  }
0xd6: {  	v32 =	vmax.f32 v32, v1;
	v18 =	vmul.f32 $5.120000000e+02, v9;
	v5 =	vtrunc.f32 v5  }
0xd7: {  	v21 =	vmin.f32 v21, v2;
	v6 =	vtrunc.f32 v6;
	v7 =	vtrunc.f32 v7  }
0xd8: {  	v32 =	vmin.f32 v32, v2;
	v9 =	vtrunc.f32 v9;
	v62 =	vmul.f32 $5.120000000e+02, v21  }
0xd9: {  	v21 =	vtrunc.f32 v21;
	v43 =	vmul.f32 $5.120000000e+02, v32  }
0xda: {  	v13 =	vadd.f32 v0, v8;
	v8 =	vcvt.f32.s32 v4;
	v23 =	vcvt.f32.s32 v5  }
0xdb: {  	v25 =	vcvt.f32.s32 v6;
	v26 =	vcvt.f32.s32 v7  }
0xdc: {  	v36 =	vcvt.f32.s32 v21;
	v4 =	vadd.f32 $1.048576000e+06, v10;
	v10 =	vadd.f32 v0, v11  }
0xdd: {  	v11 =	vmax.f32 v12, v1;
	v14 =	vadd.f32 $1.048576000e+06, v14;
	v15 =	vadd.f32 $1.048576000e+06, v15  }
0xde: {  	v12 =	vmax.f32 v13, v1;
	v16 =	vadd.f32 $1.048576000e+06, v16;
	v18 =	vadd.f32 $1.048576000e+06, v18  }
0xdf: {  	v11 =	vmin.f32 v11, v2;
	v12 =	vmin.f32 v12, v2;
	v4 =	vtrunc.f32 v4  }
0xe0: {  	v21 =	vadd.f32 $1.048576000e+06, v62;
	v17 =	vmul.f32 $5.120000000e+02, v11;
	v19 =	vmul.f32 $5.120000000e+02, v12  }
0xe1: {  	v43 =	vadd.f32 $1.048576000e+06, v43;
	v11 =	vtrunc.f32 v11;
	v12 =	vtrunc.f32 v12  }
0xe2: {  	v20 =	vshll.u32 v8, $0x9;
	v14 =	vtrunc.f32 v14;
	v15 =	vtrunc.f32 v15  }
0xe3: {  	v24 =	vshll.u32 v23, $0x9;
	v16 =	vtrunc.f32 v16;
	v18 =	vtrunc.f32 v18  }
0xe4: {  	v7 =	vld [tilespmem:s20+$0xFFFFFFE0];
	v27 =	vshll.u32 v25, $0x9;
	v21 =	vtrunc.f32 v21;
	v4 =	vcvt.f32.s32 v4  }
0xe5: {  	v29 =	vshll.u32 v26, $0x9;
	v11 =	vcvt.f32.s32 v11;
	v5 =	vcvt.f32.s32 v12  }
0xe6: {  	v10 =	vmax.f32 v10, v1;
	v28 =	vcvt.f32.s32 v15;
	v16 =	vcvt.f32.s32 v16  }
0xe7: {  	v10 =	vmin.f32 v10, v2;
	v33 =	vcvt.f32.s32 v18;
	v21 =	vcvt.f32.s32 v21  }
0xe8: {  	v6 =	vld [tilespmem:s20+$0xFFFFFFD0];
	v63 =	vshll.u32 v36, $0x9;
	v13 =	vmul.f32 $5.120000000e+02, v10;
	v10 =	vtrunc.f32 v10  }
0xe9: {  	v15 =	vld [tilespmem:s20+$0x10];
	v17 =	vadd.f32 $1.048576000e+06, v17;
	v19 =	vadd.f32 $1.048576000e+06, v19;
	v35 =	vmul.f32 $2.133333400e+01, v7  }
0xea: {  	v18 =	vld [tilespmem:s20+$0xFFFFFFC0];
	v10 =	vcvt.f32.s32 v10;
	v20 =	vsub.s32 v4, v20;
	v4 =	vcvt.f32.s32 v9  }
0xeb: {  	v31 =	vshll.u32 v11, $0x9;
	v7 =	vshll.u32 v5, $0x9;
	v17 =	vtrunc.f32 v17  }
0xec: {  	v9 =	vld [tilespmem:s20+$0xFFFFFFF0];
	v13 =	vadd.f32 $1.048576000e+06, v13;
	v19 =	vtrunc.f32 v19;
	v30 =	vcvt.f32.s32 v17  }
0xed: {  	v22 =	vshll.u32 v10, $0x9;
	v17 =	vmul.f32 $2.133333400e+01, v6;
	v6 =	vcvt.f32.s32 v19  }
0xee: {  	v19 =	vadd.f32 v0, v35;
	v13 =	vtrunc.f32 v13;
	v15 =	vmul.f32 $2.133333400e+01, v15  }
0xef: {  	v35 =	vsub.s32 v21, v63;
	v18 =	vmul.f32 $2.133333400e+01, v18;
	v12 =	vcvt.f32.s32 v13  }
0xf0: {  	[tilespmem:v8+s15+$0x0] =	vst.idx.add.s32.msk $0xffff, v20;
	v13 =	vcvt.f32.s32 v14;
	v17 =	vadd.f32 v0, v17;
	v19 =	vmax.f32 v19, v1  }
0xf1: {  	v14 =	vld [tilespmem:s20+$0x0];
	v9 =	vmul.f32 $2.133333400e+01, v9;
	v15 =	vadd.f32 v0, v15;
	v18 =	vadd.f32 v0, v18  }
0xf2: {  	v19 =	vmin.f32 v19, v2;
	v17 =	vmax.f32 v17, v1;
	v8 =	vsub.s32 v12, v22  }
0xf3: {  	v9 =	vadd.f32 v0, v9;
	v18 =	vmax.f32 v18, v1;
	v15 =	vmax.f32 v15, v1  }
0xf4: {  	v34 =	vshll.u32 v4, $0x9;
	v17 =	vmin.f32 v17, v2;
	[tilespmem:v10+s15+$0x0] =	vst.idx.add.s32.msk $0xffff, v8;
	v8 =	vsub.s32 v13, v24  }
0xf5: {  	v13 =	vtrunc.f32 v43;
	v18 =	vmin.f32 v18, v2;
	v37 =	vmul.f32 $5.120000000e+02, v17  }
0xf6: {  	v15 =	vmin.f32 v15, v2;
	v20 =	vtrunc.f32 v17;
	v14 =	vmul.f32 $2.133333400e+01, v14  }
0xf7: {  	[tilespmem:v23+s15+$0x0] =	vst.idx.add.s32.msk $0xffff, v8;
	v8 =	vsub.s32 v28, v27;
	v21 =	vmul.f32 $5.120000000e+02, v18;
	v41 =	vmul.f32 $5.120000000e+02, v15  }
0xf8: {  	v9 =	vmax.f32 v9, v1;
	v44 =	vtrunc.f32 v18;
	v15 =	vtrunc.f32 v15;
	[tilespmem:v25+s15+$0x0] =	vst.idx.add.s32.msk $0xffff, v8  }
0xf9: {  	v8 =	vsub.s32 v16, v29;
	v9 =	vmin.f32 v9, v2;
	v14 =	vadd.f32 v0, v14  }
0xfa: {  	v37 =	vadd.f32 $1.048576000e+06, v37;
	[tilespmem:v26+s15+$0x0] =	vst.idx.add.s32.msk $0xffff, v8;
	v8 =	vcvt.f32.s32 v44;
	v38 =	vadd.f32 $1.048576000e+06, v21  }
0xfb: {  	v21 =	vmul.f32 $5.120000000e+02, v19;
	v39 =	vmul.f32 $5.120000000e+02, v9;
	v14 =	vmax.f32 v14, v1  }
0xfc: {  	v41 =	vadd.f32 $1.048576000e+06, v41;
	v22 =	vtrunc.f32 v37;
	v14 =	vmin.f32 v14, v2  }
0xfd: {  	v42 =	vadd.f32 $1.048576000e+06, v21;
	v21 =	vtrunc.f32 v19;
	v40 =	vmul.f32 $5.120000000e+02, v14  }
0xfe: {  	v39 =	vadd.f32 $1.048576000e+06, v39;
	v19 =	vtrunc.f32 v9;
	v24 =	vtrunc.f32 v38  }
0xff: {  	v12 =	vtrunc.f32 v41;
	v17 =	vtrunc.f32 v14;
	v40 =	vadd.f32 $1.048576000e+06, v40  }
0x100: {  	[tilespmem:v36+s15+$0x0] =	vst.idx.add.s32.msk $0xffff, v35;
	v9 =	vsub.s32 v30, v31;
	v14 =	vtrunc.f32 v32;
	v23 =	vtrunc.f32 v42  }
0x101: {  	s31 =	simm.s32 $0x8;
	s0 =	simm.s32 $0x4140;
	v25 =	vsub.s32 v33, v34;
	[tilespmem:v11+s15+$0x0] =	vst.idx.add.s32.msk $0xffff, v9;
	v18 =	vtrunc.f32 v39;
	v16 =	vtrunc.f32 v40  }
.LBB2_9:
0x102: {  	v26 =	vld [tilespmem:s0+$0x30];
	s31 =	sadd.s32 $0x8, s31;
	v27 =	vcvt.f32.s32 v20;
	v10 =	vcvt.f32.s32 v21;
	v20 =	vsub.s32 v6, v7  }
0x103: {  	v11 =	vcvt.f32.s32 v19;
	v9 =	vcvt.f32.s32 v17;
	v6 =	vld [tilespmem:s0+$0xFFFFFFD0];
	p1 =	slt.u32 s31, $0x3F8;
	v28 =	vshll.u32 v8, $0x9  }
0x104: {  	v15 =	vcvt.f32.s32 v15;
	v14 =	vcvt.f32.s32 v14;
	v7 =	vld [tilespmem:s0+$0xFFFFFFE0];
	v29 =	vshll.u32 v27, $0x9  }
0x105: {  	v24 =	vcvt.f32.s32 v24;
	v22 =	vcvt.f32.s32 v22;
	v30 =	vshll.u32 v10, $0x9;
	v17 =	vld [tilespmem:s0+$0xFFFFFFF0]  }
0x106: {  	v23 =	vcvt.f32.s32 v23;
	v31 =	vcvt.f32.s32 v18;
	v32 =	vshll.u32 v11, $0x9;
	v19 =	vld [tilespmem:s0+$0x0]  }
0x107: {  	v33 =	vshll.u32 v9, $0x9;
	v18 =	vld [tilespmem:s0+$0x10];
	v21 =	vmul.f32 $2.133333400e+01, v26;
	v26 =	vcvt.f32.s32 v16  }
0x108: {  	v35 =	vcvt.f32.s32 v12;
	v36 =	vshll.u32 v15, $0x9;
	v16 =	vmul.f32 $2.133333400e+01, v6;
	v34 =	vld [tilespmem:s0+$0x20]  }
0x109: {  	v6 =	vcvt.f32.s32 v13;
	v12 =	vld [tilespmem:s0+$0xFFFFFFC0];
	v37 =	vmul.f32 $2.133333400e+01, v7;
	v21 =	vadd.f32 v0, v21  }
0x10a: {  	v7 =	vshll.u32 v14, $0x9;
	v13 =	vadd.f32 v0, v16;
	v16 =	vmul.f32 $2.133333400e+01, v17;
	[tilespmem:v4+s15+$0x0] =	vst.idx.add.s32.msk $0xffff, v25;
	v4 =	vmovc v15  }
0x10b: {  	v15 =	vadd.f32 v0, v37;
	v17 =	vmul.f32 $2.133333400e+01, v19;
	v19 =	vmax.f32 v21, v1;
	[tilespmem:v5+s15+$0x0] =	vst.idx.add.s32.msk $0xffff, v20  }
0x10c: {  	v5 =	vmovc v14;
	v16 =	vadd.f32 v0, v16;
	v18 =	vmul.f32 $2.133333400e+01, v18;
	v19 =	vmin.f32 v19, v2  }
0x10d: {  	v14 =	vadd.f32 v0, v17;
	v17 =	vmul.f32 $2.133333400e+01, v34;
	v20 =	vmul.f32 $5.120000000e+02, v19  }
0x10e: {  	v19 =	vtrunc.f32 v19;
	v12 =	vmul.f32 $2.133333400e+01, v12;
	v18 =	vadd.f32 v0, v18  }
0x10f: {  	v19 =	vcvt.f32.s32 v19;
	v17 =	vadd.f32 v0, v17;
	v20 =	vadd.f32 $1.048576000e+06, v20  }
0x110: {  	v13 =	vmax.f32 v13, v1;
	v15 =	vmax.f32 v15, v1;
	v12 =	vadd.f32 v0, v12  }
0x111: {  	v16 =	vmax.f32 v16, v1;
	v14 =	vmax.f32 v14, v1;
	v20 =	vtrunc.f32 v20  }
0x112: {  	v18 =	vmax.f32 v18, v1;
	v12 =	vmax.f32 v12, v1;
	v20 =	vcvt.f32.s32 v20  }
0x113: {  	v21 =	vshll.u32 v19, $0x9;
	v17 =	vmax.f32 v17, v1;
	v12 =	vmin.f32 v12, v2  }
0x114: {  	v13 =	vmin.f32 v13, v2;
	v15 =	vmin.f32 v15, v2;
	v20 =	vsub.s32 v20, v21  }
0x115: {  	v16 =	vmin.f32 v16, v2;
	v14 =	vmin.f32 v14, v2;
	v21 =	vmul.f32 $5.120000000e+02, v12;
	[tilespmem:v19+s15+$0x0] =	vst.idx.add.s32.msk $0xffff, v20  }
0x116: {  	v18 =	vmin.f32 v18, v2;
	v25 =	vmin.f32 v17, v2;
	v19 =	vmul.f32 $5.120000000e+02, v13  }
0x117: {  	v17 =	vmul.f32 $5.120000000e+02, v15;
	v20 =	vmul.f32 $5.120000000e+02, v16;
	v34 =	vadd.f32 $1.048576000e+06, v21  }
0x118: {  	v21 =	vmul.f32 $5.120000000e+02, v18;
	v37 =	vadd.f32 $1.048576000e+06, v19;
	v19 =	vmul.f32 $5.120000000e+02, v14  }
0x119: {  	v38 =	vadd.f32 $1.048576000e+06, v17;
	v17 =	vmul.f32 $5.120000000e+02, v25;
	v39 =	vadd.f32 $1.048576000e+06, v20  }
0x11a: {  	v40 =	vtrunc.f32 v12;
	v41 =	vadd.f32 $1.048576000e+06, v21;
	v12 =	vadd.f32 $1.048576000e+06, v19  }
0x11b: {  	v20 =	vtrunc.f32 v13;
	v13 =	vadd.f32 $1.048576000e+06, v17;
	v21 =	vtrunc.f32 v15  }
0x11c: {  	v17 =	vtrunc.f32 v14;
	v19 =	vtrunc.f32 v16;
	v16 =	vsub.s32 v24, v28  }
.Ltmp5:
0x11d: {  	v14 =	vtrunc.f32 v25;
	v15 =	vtrunc.f32 v18;
	[tilespmem:v8+s15+$0x0] =	vst.idx.add.s32.msk $0xffff, v16;
	v8 =	vsub.s32 v22, v29;
	(pc) =	sbr.rel @p1 .LBB2_9-.Ltmp5, $4  }
0x11e: {  	v24 =	vtrunc.f32 v34;
	v22 =	vtrunc.f32 v37;
	[tilespmem:v27+s15+$0x0] =	vst.idx.add.s32.msk $0xffff, v8;
	v8 =	vsub.s32 v23, v30  }
0x11f: {  	v18 =	vtrunc.f32 v39;
	v23 =	vtrunc.f32 v38;
	[tilespmem:v10+s15+$0x0] =	vst.idx.add.s32.msk $0xffff, v8;
	v8 =	vsub.s32 v31, v32  }
0x120: {  	v16 =	vtrunc.f32 v12;
	v12 =	vtrunc.f32 v41;
	v10 =	vsub.s32 v26, v33;
	[tilespmem:v11+s15+$0x0] =	vst.idx.add.s32.msk $0xffff, v8  }
0x121: {  	s0 =	sadd.s32 $0x80, s0;
	v25 =	vsub.s32 v35, v36;
	v13 =	vtrunc.f32 v13;
	v8 =	vcvt.f32.s32 v40;
	[tilespmem:v9+s15+$0x0] =	vst.idx.add.s32.msk $0xffff, v10  }
0x122: {  	_ = 	snop  }
0x123: {  	v9 =	vcvt.f32.s32 v20;
	v10 =	vcvt.f32.s32 v21  }
0x124: {  	v6 =	vsub.s32 v6, v7;
	v7 =	vcvt.f32.s32 v19;
	v17 =	vcvt.f32.s32 v17  }
0x125: {  	v61 =	vcvt.f32.s32 v24;
	v15 =	vcvt.f32.s32 v15  }
0x126: {  	v62 =	vcvt.f32.s32 v22;
	[tilespmem:v4+s15+$0x0] =	vst.idx.add.s32.msk $0xffff, v25;
	v4 =	vcvt.f32.s32 v14;
	v11 =	vshll.u32 v8, $0x9  }
0x127: {  	v63 =	vcvt.f32.s32 v23;
	[tilespmem:v5+s15+$0x0] =	vst.idx.add.s32.msk $0xffff, v6;
	v20 =	vshll.u32 v9, $0x9;
	v5 =	vsub.s32 v61, v11  }
0x128: {  	v6 =	vshll.u32 v10, $0x9;
	v11 =	vcvt.f32.s32 v18;
	[tilespmem:v8+s15+$0x0] =	vst.idx.add.s32.msk $0xffff, v5;
	v5 =	vsub.s32 v62, v20  }
0x129: {  	v16 =	vcvt.f32.s32 v16;
	v8 =	vshll.u32 v7, $0x9;
	[tilespmem:v9+s15+$0x0] =	vst.idx.add.s32.msk $0xffff, v5;
	v5 =	vsub.s32 v63, v6  }
0x12a: {  	v6 =	vshll.u32 v17, $0x9;
	v9 =	vcvt.f32.s32 v12;
	[tilespmem:v10+s15+$0x0] =	vst.idx.add.s32.msk $0xffff, v5;
	v5 =	vsub.s32 v11, v8  }
0x12b: {  	v8 =	vshll.u32 v15, $0x9;
	v10 =	vcvt.f32.s32 v13;
	[tilespmem:v7+s15+$0x0] =	vst.idx.add.s32.msk $0xffff, v5;
	v5 =	vsub.s32 v16, v6  }
0x12c: {  	v6 =	vshll.u32 v4, $0x9;
	[tilespmem:v17+s15+$0x0] =	vst.idx.add.s32.msk $0xffff, v5;
	v5 =	vsub.s32 v9, v8  }
0x12d: {  	v6 =	vsub.s32 v10, v6;
	[tilespmem:v15+s15+$0x0] =	vst.idx.add.s32.msk $0xffff, v5  }
0x12e: {  	s0 =	simm.s32 $0x0;
	[tilespmem:v4+s15+$0x0] =	vst.idx.add.s32.msk $0xffff, v6  }
0x12f: {  	v4 =	vld [tilespmem:s0+$0x10020];
	_ =	sdelay $0x3  }
0x130: {  	v8 =	vld [tilespmem:s0+$0x10000]  }
0x131: {  	v5 =	vshrl.u32 v4, $0x14;
	v7 =	vand.u32 $0xFFFFF, v4;
	v4 =	vld [tilespmem:s0+$0x10010];
	_ =	sdelay $0x2  }
0x132: {  	v6 =	vcvt.s32.f32 v5;
	v7 =	vcvt.s32.f32 v7  }
0x133: {  	s31 =	simm.s32 $0x0;
	s1 =	simm.s32 $0xC0;
	v5 =	vshrl.u32 v8, $0x14;
	v8 =	vand.u32 $0xFFFFF, v8  }
.LBB2_11:
0x134: {  	s20 =	sshra.s32 s1, $0x2;
	s31 =	sadd.s32 $0x3, s31;
	v8 =	vcvt.s32.f32 v8;
	v9 =	vand.u32 $0xFFFFF, v4;
	[tilespmem:s0+$0x110A0] =	vst.add.f32.msk $0xffff, v6;
	v6 =	vmul.f32 $1.953125000e-03, v7  }
0x135: {  	v5 =	vcvt.s32.f32 v5;
	v4 =	vshrl.u32 v4, $0x14;
	v7 =	vld [tilespmem:s20+$0x10020];
	p1 =	slt.u32 s31, $0x102;
	v9 =	vcvt.s32.f32 v9  }
0x136: {  	v10 =	vcvt.s32.f32 v4;
	v8 =	vmul.f32 $1.953125000e-03, v8;
	[tilespmem:s0+$0x120F0] =	vst.add.f32.msk $0xffff, v6  }
0x137: {  	v11 =	vld [tilespmem:s20+$0x10000];
	v6 =	vmul.f32 $1.953125000e-03, v9  }
.Ltmp6:
0x138: {  	v4 =	vld [tilespmem:s20+$0x10010];
	(pc) =	sbr.rel @p1 .LBB2_11-.Ltmp6, $4  }
0x139: {  	[tilespmem:s0+$0x120D0] =	vst.add.f32.msk $0xffff, v8  }
0x13a: {  	v8 =	vshrl.u32 v7, $0x14;
	v7 =	vand.u32 $0xFFFFF, v7;
	[tilespmem:s0+$0x120E0] =	vst.add.f32.msk $0xffff, v6  }
0x13b: {  	v6 =	vcvt.s32.f32 v8;
	v7 =	vcvt.s32.f32 v7;
	[tilespmem:s0+$0x11080] =	vst.add.f32.msk $0xffff, v5  }
0x13c: {  	s1 =	sadd.s32 $0xC0, s1;
	v5 =	vshrl.u32 v11, $0x14;
	v8 =	vand.u32 $0xFFFFF, v11;
	[tilespmem:s0+$0x11090] =	vst.add.f32.msk $0xffff, v10;
	s0 =	smov.u32 s20  }
0x13d: {  	v8 =	vcvt.s32.f32 v8;
	v7 =	vmul.f32 $1.953125000e-03, v7  }
0x13e: {  	v9 =	vand.u32 $0xFFFFF, v4;
	[tilespmem:s0+$0x110A0] =	vst.add.f32.msk $0xffff, v6;
	v5 =	vcvt.s32.f32 v5;
	v4 =	vshrl.u32 v4, $0x14  }
0x13f: {  	v9 =	vcvt.s32.f32 v9;
	v4 =	vcvt.s32.f32 v4;
	[tilespmem:s0+$0x120F0] =	vst.add.f32.msk $0xffff, v7  }
0x140: {  	v62 =	vmul.f32 $1.953125000e-03, v8;
	[tilespmem:s0+$0x11080] =	vst.add.f32.msk $0xffff, v5  }
0x141: {  	v63 =	vmul.f32 $1.953125000e-03, v9;
	[tilespmem:s0+$0x11090] =	vst.add.f32.msk $0xffff, v4  }
0x142: {  	[tilespmem:s0+$0x120D0] =	vst.add.f32.msk $0xffff, v62  }
0x143: {  	s1 =	simm.s32 $0x10020;
	[tilespmem:s0+$0x120E0] =	vst.add.f32.msk $0xffff, v63  }
0x144: {  	[tilespmem:s1+$0xFFFFFFE0] =	vst v3  }
0x145: {  	s0 =	simm.s32 $0x0;
	[tilespmem:s1+$0x0] =	vst v3  }
.LBB2_13:
0x146: {  	s0 =	sadd.s32 $0x3, s0  }
0x147: {  	[tilespmem:s1+$0xFFFFFFF0] =	vst v3;
	s1 =	sadd.s32 $0x30, s1;
	p1 =	slt.u32 s0, $0x102  }
.Ltmp7:
0x148: {  	[tilespmem:s1+$0xFFFFFFE0] =	vst v3;
	(pc) =	sbr.rel @p1 .LBB2_13-.Ltmp7, $2  }
0x149: {  	_ =	sdelay $0x2  }
0x14a: {  	[tilespmem:s1+$0x0] =	vst v3  }
0x14b: {  	s0 =	sadd.s32 @!p0 s30, s10  }
0x14c: {  	[tilespmem:s1+$0xFFFFFFF0] =	vst v3;
	s1 =	simm.s32 @!p0 $0x80;
	s20 =	simm.s32 @!p0 $0x400;
	s31 =	simm.s32 @!p0 $0x4000  }
0x14d: {  	[tilespmem:s31], [sflag:$0x2] =	stream.strided.gather @!p0 [hbm4b:s0+s1], $0x4000, s20, s1, $0x38;
	[tilespmem:$0x13180] =	vst v63  }
0x14e: {  	_ =	swait.ge [sflag:s25], $0x4000  }
0x14f: {  	[sflag:s25] =	ssyncset.done $0x0  }
0x150: {  	s1 =	simm.s32 $0x8040;
	[sflag:s25] =	ssyncadd.s32 $0xFFFFC000  }
0x151: {  	v4 =	vld [tilespmem:s1+$0x30]  }
0x152: {  	v5 =	vld [tilespmem:s1+$0xFFFFFFD0]  }
0x153: {  	v6 =	vld [tilespmem:s1+$0xFFFFFFE0]  }
0x154: {  	v7 =	vld [tilespmem:s1+$0xFFFFFFF0]  }
0x155: {  	v8 =	vld [tilespmem:s1+$0x0]  }
0x156: {  	v9 =	vld [tilespmem:s1+$0x10]  }
0x157: {  	s20 =	simm.s32 $0x80C0;
	v11 =	vld [tilespmem:s1+$0xFFFFFFC0]  }
0x158: {  	v21 =	vld [tilespmem:s20+$0x30]  }
0x159: {  	v32 =	vld [tilespmem:s20+$0x20];
	v4 =	vmul.f32 $2.133333400e+01, v4  }
0x15a: {  	v10 =	vld [tilespmem:s1+$0x20];
	v5 =	vmul.f32 $2.133333400e+01, v5;
	v6 =	vmul.f32 $2.133333400e+01, v6  }
0x15b: {  	v7 =	vmul.f32 $2.133333400e+01, v7;
	v8 =	vmul.f32 $2.133333400e+01, v8  }
0x15c: {  	v9 =	vmul.f32 $2.133333400e+01, v9;
	v11 =	vmul.f32 $2.133333400e+01, v11  }
0x15d: {  	v21 =	vmul.f32 $2.133333400e+01, v21;
	v4 =	vadd.f32 v0, v4;
	v5 =	vadd.f32 v0, v5  }
0x15e: {  	v32 =	vmul.f32 $2.133333400e+01, v32;
	v6 =	vadd.f32 v0, v6;
	v7 =	vadd.f32 v0, v7  }
0x15f: {  	v12 =	vadd.f32 v0, v8;
	v8 =	vmul.f32 $2.133333400e+01, v10;
	v9 =	vadd.f32 v0, v9  }
0x160: {  	v21 =	vadd.f32 v0, v21;
	v32 =	vadd.f32 v0, v32;
	v4 =	vmax.f32 v4, v1  }
0x161: {  	v5 =	vmax.f32 v5, v1;
	v6 =	vmax.f32 v6, v1;
	v7 =	vmax.f32 v7, v1  }
0x162: {  	v9 =	vmax.f32 v9, v1;
	v21 =	vmax.f32 v21, v1;
	v4 =	vmin.f32 v4, v2  }
0x163: {  	v5 =	vmin.f32 v5, v2;
	v6 =	vmin.f32 v6, v2;
	v10 =	vmul.f32 $5.120000000e+02, v4  }
0x164: {  	v7 =	vmin.f32 v7, v2;
	v4 =	vtrunc.f32 v4;
	v14 =	vmul.f32 $5.120000000e+02, v5  }
0x165: {  	v9 =	vmin.f32 v9, v2;
	v15 =	vmul.f32 $5.120000000e+02, v6;
	v16 =	vmul.f32 $5.120000000e+02, v7  }
0x166: {  	v32 =	vmax.f32 v32, v1;
	v18 =	vmul.f32 $5.120000000e+02, v9;
	v5 =	vtrunc.f32 v5  }
0x167: {  	v21 =	vmin.f32 v21, v2;
	v6 =	vtrunc.f32 v6;
	v7 =	vtrunc.f32 v7  }
0x168: {  	v32 =	vmin.f32 v32, v2;
	v9 =	vtrunc.f32 v9;
	v62 =	vmul.f32 $5.120000000e+02, v21  }
0x169: {  	v21 =	vtrunc.f32 v21;
	v43 =	vmul.f32 $5.120000000e+02, v32  }
0x16a: {  	v13 =	vadd.f32 v0, v8;
	v8 =	vcvt.f32.s32 v4;
	v23 =	vcvt.f32.s32 v5  }
0x16b: {  	v25 =	vcvt.f32.s32 v6;
	v26 =	vcvt.f32.s32 v7  }
0x16c: {  	v36 =	vcvt.f32.s32 v21;
	v4 =	vadd.f32 $1.048576000e+06, v10;
	v10 =	vadd.f32 v0, v11  }
0x16d: {  	v11 =	vmax.f32 v12, v1;
	v14 =	vadd.f32 $1.048576000e+06, v14;
	v15 =	vadd.f32 $1.048576000e+06, v15  }
0x16e: {  	v12 =	vmax.f32 v13, v1;
	v16 =	vadd.f32 $1.048576000e+06, v16;
	v18 =	vadd.f32 $1.048576000e+06, v18  }
0x16f: {  	v11 =	vmin.f32 v11, v2;
	v12 =	vmin.f32 v12, v2;
	v4 =	vtrunc.f32 v4  }
0x170: {  	v21 =	vadd.f32 $1.048576000e+06, v62;
	v17 =	vmul.f32 $5.120000000e+02, v11;
	v19 =	vmul.f32 $5.120000000e+02, v12  }
0x171: {  	v43 =	vadd.f32 $1.048576000e+06, v43;
	v11 =	vtrunc.f32 v11;
	v12 =	vtrunc.f32 v12  }
0x172: {  	v20 =	vshll.u32 v8, $0x9;
	v14 =	vtrunc.f32 v14;
	v15 =	vtrunc.f32 v15  }
0x173: {  	v24 =	vshll.u32 v23, $0x9;
	v16 =	vtrunc.f32 v16;
	v18 =	vtrunc.f32 v18  }
0x174: {  	v7 =	vld [tilespmem:s20+$0xFFFFFFE0];
	v27 =	vshll.u32 v25, $0x9;
	v21 =	vtrunc.f32 v21;
	v4 =	vcvt.f32.s32 v4  }
0x175: {  	v29 =	vshll.u32 v26, $0x9;
	v11 =	vcvt.f32.s32 v11;
	v5 =	vcvt.f32.s32 v12  }
0x176: {  	v10 =	vmax.f32 v10, v1;
	v28 =	vcvt.f32.s32 v15;
	v16 =	vcvt.f32.s32 v16  }
0x177: {  	v10 =	vmin.f32 v10, v2;
	v33 =	vcvt.f32.s32 v18;
	v21 =	vcvt.f32.s32 v21  }
0x178: {  	v6 =	vld [tilespmem:s20+$0xFFFFFFD0];
	v63 =	vshll.u32 v36, $0x9;
	v13 =	vmul.f32 $5.120000000e+02, v10;
	v10 =	vtrunc.f32 v10  }
0x179: {  	v15 =	vld [tilespmem:s20+$0x10];
	v17 =	vadd.f32 $1.048576000e+06, v17;
	v19 =	vadd.f32 $1.048576000e+06, v19;
	v35 =	vmul.f32 $2.133333400e+01, v7  }
0x17a: {  	v18 =	vld [tilespmem:s20+$0xFFFFFFC0];
	v10 =	vcvt.f32.s32 v10;
	v20 =	vsub.s32 v4, v20;
	v4 =	vcvt.f32.s32 v9  }
0x17b: {  	v31 =	vshll.u32 v11, $0x9;
	v7 =	vshll.u32 v5, $0x9;
	v17 =	vtrunc.f32 v17  }
0x17c: {  	v9 =	vld [tilespmem:s20+$0xFFFFFFF0];
	v13 =	vadd.f32 $1.048576000e+06, v13;
	v19 =	vtrunc.f32 v19;
	v30 =	vcvt.f32.s32 v17  }
0x17d: {  	v22 =	vshll.u32 v10, $0x9;
	v17 =	vmul.f32 $2.133333400e+01, v6;
	v6 =	vcvt.f32.s32 v19  }
0x17e: {  	v19 =	vadd.f32 v0, v35;
	v13 =	vtrunc.f32 v13;
	v15 =	vmul.f32 $2.133333400e+01, v15  }
0x17f: {  	v35 =	vsub.s32 v21, v63;
	v18 =	vmul.f32 $2.133333400e+01, v18;
	v12 =	vcvt.f32.s32 v13  }
0x180: {  	[tilespmem:v8+s15+$0x0] =	vst.idx.add.s32.msk $0xffff, v20;
	v13 =	vcvt.f32.s32 v14;
	v17 =	vadd.f32 v0, v17;
	v19 =	vmax.f32 v19, v1  }
0x181: {  	v14 =	vld [tilespmem:s20+$0x0];
	v9 =	vmul.f32 $2.133333400e+01, v9;
	v15 =	vadd.f32 v0, v15;
	v18 =	vadd.f32 v0, v18  }
0x182: {  	v19 =	vmin.f32 v19, v2;
	v17 =	vmax.f32 v17, v1;
	v8 =	vsub.s32 v12, v22  }
0x183: {  	v9 =	vadd.f32 v0, v9;
	v18 =	vmax.f32 v18, v1;
	v15 =	vmax.f32 v15, v1  }
0x184: {  	v34 =	vshll.u32 v4, $0x9;
	v17 =	vmin.f32 v17, v2;
	[tilespmem:v10+s15+$0x0] =	vst.idx.add.s32.msk $0xffff, v8;
	v8 =	vsub.s32 v13, v24  }
0x185: {  	v13 =	vtrunc.f32 v43;
	v18 =	vmin.f32 v18, v2;
	v37 =	vmul.f32 $5.120000000e+02, v17  }
0x186: {  	v15 =	vmin.f32 v15, v2;
	v20 =	vtrunc.f32 v17;
	v14 =	vmul.f32 $2.133333400e+01, v14  }
0x187: {  	[tilespmem:v23+s15+$0x0] =	vst.idx.add.s32.msk $0xffff, v8;
	v8 =	vsub.s32 v28, v27;
	v21 =	vmul.f32 $5.120000000e+02, v18;
	v41 =	vmul.f32 $5.120000000e+02, v15  }
0x188: {  	v9 =	vmax.f32 v9, v1;
	v44 =	vtrunc.f32 v18;
	v15 =	vtrunc.f32 v15;
	[tilespmem:v25+s15+$0x0] =	vst.idx.add.s32.msk $0xffff, v8  }
0x189: {  	v8 =	vsub.s32 v16, v29;
	v9 =	vmin.f32 v9, v2;
	v14 =	vadd.f32 v0, v14  }
0x18a: {  	v37 =	vadd.f32 $1.048576000e+06, v37;
	[tilespmem:v26+s15+$0x0] =	vst.idx.add.s32.msk $0xffff, v8;
	v8 =	vcvt.f32.s32 v44;
	v38 =	vadd.f32 $1.048576000e+06, v21  }
0x18b: {  	v21 =	vmul.f32 $5.120000000e+02, v19;
	v39 =	vmul.f32 $5.120000000e+02, v9;
	v14 =	vmax.f32 v14, v1  }
0x18c: {  	v41 =	vadd.f32 $1.048576000e+06, v41;
	v22 =	vtrunc.f32 v37;
	v14 =	vmin.f32 v14, v2  }
0x18d: {  	v42 =	vadd.f32 $1.048576000e+06, v21;
	v21 =	vtrunc.f32 v19;
	v40 =	vmul.f32 $5.120000000e+02, v14  }
0x18e: {  	v39 =	vadd.f32 $1.048576000e+06, v39;
	v19 =	vtrunc.f32 v9;
	v24 =	vtrunc.f32 v38  }
0x18f: {  	v12 =	vtrunc.f32 v41;
	v17 =	vtrunc.f32 v14;
	v40 =	vadd.f32 $1.048576000e+06, v40  }
0x190: {  	[tilespmem:v36+s15+$0x0] =	vst.idx.add.s32.msk $0xffff, v35;
	v9 =	vsub.s32 v30, v31;
	v14 =	vtrunc.f32 v32;
	v23 =	vtrunc.f32 v42  }
0x191: {  	s31 =	simm.s32 $0x8;
	s0 =	simm.s32 $0x8140;
	v25 =	vsub.s32 v33, v34;
	[tilespmem:v11+s15+$0x0] =	vst.idx.add.s32.msk $0xffff, v9;
	v18 =	vtrunc.f32 v39;
	v16 =	vtrunc.f32 v40  }
.LBB2_15:
0x192: {  	v26 =	vld [tilespmem:s0+$0x30];
	s31 =	sadd.s32 $0x8, s31;
	v27 =	vcvt.f32.s32 v20;
	v10 =	vcvt.f32.s32 v21;
	v20 =	vsub.s32 v6, v7  }
0x193: {  	v11 =	vcvt.f32.s32 v19;
	v9 =	vcvt.f32.s32 v17;
	v6 =	vld [tilespmem:s0+$0xFFFFFFD0];
	p1 =	slt.u32 s31, $0x3F8;
	v28 =	vshll.u32 v8, $0x9  }
0x194: {  	v15 =	vcvt.f32.s32 v15;
	v14 =	vcvt.f32.s32 v14;
	v7 =	vld [tilespmem:s0+$0xFFFFFFE0];
	v29 =	vshll.u32 v27, $0x9  }
0x195: {  	v24 =	vcvt.f32.s32 v24;
	v22 =	vcvt.f32.s32 v22;
	v30 =	vshll.u32 v10, $0x9;
	v17 =	vld [tilespmem:s0+$0xFFFFFFF0]  }
0x196: {  	v23 =	vcvt.f32.s32 v23;
	v31 =	vcvt.f32.s32 v18;
	v32 =	vshll.u32 v11, $0x9;
	v19 =	vld [tilespmem:s0+$0x0]  }
0x197: {  	v33 =	vshll.u32 v9, $0x9;
	v18 =	vld [tilespmem:s0+$0x10];
	v21 =	vmul.f32 $2.133333400e+01, v26;
	v26 =	vcvt.f32.s32 v16  }
0x198: {  	v35 =	vcvt.f32.s32 v12;
	v36 =	vshll.u32 v15, $0x9;
	v16 =	vmul.f32 $2.133333400e+01, v6;
	v34 =	vld [tilespmem:s0+$0x20]  }
0x199: {  	v6 =	vcvt.f32.s32 v13;
	v12 =	vld [tilespmem:s0+$0xFFFFFFC0];
	v37 =	vmul.f32 $2.133333400e+01, v7;
	v21 =	vadd.f32 v0, v21  }
0x19a: {  	v7 =	vshll.u32 v14, $0x9;
	v13 =	vadd.f32 v0, v16;
	v16 =	vmul.f32 $2.133333400e+01, v17;
	[tilespmem:v4+s15+$0x0] =	vst.idx.add.s32.msk $0xffff, v25;
	v4 =	vmovc v15  }
0x19b: {  	v15 =	vadd.f32 v0, v37;
	v17 =	vmul.f32 $2.133333400e+01, v19;
	v19 =	vmax.f32 v21, v1;
	[tilespmem:v5+s15+$0x0] =	vst.idx.add.s32.msk $0xffff, v20  }
0x19c: {  	v5 =	vmovc v14;
	v16 =	vadd.f32 v0, v16;
	v18 =	vmul.f32 $2.133333400e+01, v18;
	v19 =	vmin.f32 v19, v2  }
0x19d: {  	v14 =	vadd.f32 v0, v17;
	v17 =	vmul.f32 $2.133333400e+01, v34;
	v20 =	vmul.f32 $5.120000000e+02, v19  }
0x19e: {  	v19 =	vtrunc.f32 v19;
	v12 =	vmul.f32 $2.133333400e+01, v12;
	v18 =	vadd.f32 v0, v18  }
0x19f: {  	v19 =	vcvt.f32.s32 v19;
	v17 =	vadd.f32 v0, v17;
	v20 =	vadd.f32 $1.048576000e+06, v20  }
0x1a0: {  	v13 =	vmax.f32 v13, v1;
	v15 =	vmax.f32 v15, v1;
	v12 =	vadd.f32 v0, v12  }
0x1a1: {  	v16 =	vmax.f32 v16, v1;
	v14 =	vmax.f32 v14, v1;
	v20 =	vtrunc.f32 v20  }
0x1a2: {  	v18 =	vmax.f32 v18, v1;
	v12 =	vmax.f32 v12, v1;
	v20 =	vcvt.f32.s32 v20  }
0x1a3: {  	v21 =	vshll.u32 v19, $0x9;
	v17 =	vmax.f32 v17, v1;
	v12 =	vmin.f32 v12, v2  }
0x1a4: {  	v13 =	vmin.f32 v13, v2;
	v15 =	vmin.f32 v15, v2;
	v20 =	vsub.s32 v20, v21  }
0x1a5: {  	v16 =	vmin.f32 v16, v2;
	v14 =	vmin.f32 v14, v2;
	v21 =	vmul.f32 $5.120000000e+02, v12;
	[tilespmem:v19+s15+$0x0] =	vst.idx.add.s32.msk $0xffff, v20  }
0x1a6: {  	v18 =	vmin.f32 v18, v2;
	v25 =	vmin.f32 v17, v2;
	v19 =	vmul.f32 $5.120000000e+02, v13  }
0x1a7: {  	v17 =	vmul.f32 $5.120000000e+02, v15;
	v20 =	vmul.f32 $5.120000000e+02, v16;
	v34 =	vadd.f32 $1.048576000e+06, v21  }
0x1a8: {  	v21 =	vmul.f32 $5.120000000e+02, v18;
	v37 =	vadd.f32 $1.048576000e+06, v19;
	v19 =	vmul.f32 $5.120000000e+02, v14  }
0x1a9: {  	v38 =	vadd.f32 $1.048576000e+06, v17;
	v17 =	vmul.f32 $5.120000000e+02, v25;
	v39 =	vadd.f32 $1.048576000e+06, v20  }
0x1aa: {  	v40 =	vtrunc.f32 v12;
	v41 =	vadd.f32 $1.048576000e+06, v21;
	v12 =	vadd.f32 $1.048576000e+06, v19  }
0x1ab: {  	v20 =	vtrunc.f32 v13;
	v13 =	vadd.f32 $1.048576000e+06, v17;
	v21 =	vtrunc.f32 v15  }
0x1ac: {  	v17 =	vtrunc.f32 v14;
	v19 =	vtrunc.f32 v16;
	v16 =	vsub.s32 v24, v28  }
.Ltmp8:
0x1ad: {  	v14 =	vtrunc.f32 v25;
	v15 =	vtrunc.f32 v18;
	[tilespmem:v8+s15+$0x0] =	vst.idx.add.s32.msk $0xffff, v16;
	v8 =	vsub.s32 v22, v29;
	(pc) =	sbr.rel @p1 .LBB2_15-.Ltmp8, $4  }
0x1ae: {  	v24 =	vtrunc.f32 v34;
	v22 =	vtrunc.f32 v37;
	[tilespmem:v27+s15+$0x0] =	vst.idx.add.s32.msk $0xffff, v8;
	v8 =	vsub.s32 v23, v30  }
0x1af: {  	v18 =	vtrunc.f32 v39;
	v23 =	vtrunc.f32 v38;
	[tilespmem:v10+s15+$0x0] =	vst.idx.add.s32.msk $0xffff, v8;
	v8 =	vsub.s32 v31, v32  }
0x1b0: {  	v16 =	vtrunc.f32 v12;
	v12 =	vtrunc.f32 v41;
	v10 =	vsub.s32 v26, v33;
	[tilespmem:v11+s15+$0x0] =	vst.idx.add.s32.msk $0xffff, v8  }
0x1b1: {  	s0 =	sadd.s32 $0x80, s0;
	v25 =	vsub.s32 v35, v36;
	v13 =	vtrunc.f32 v13;
	v8 =	vcvt.f32.s32 v40;
	[tilespmem:v9+s15+$0x0] =	vst.idx.add.s32.msk $0xffff, v10  }
0x1b2: {  	_ = 	snop  }
0x1b3: {  	v9 =	vcvt.f32.s32 v20;
	v10 =	vcvt.f32.s32 v21  }
0x1b4: {  	v6 =	vsub.s32 v6, v7;
	v7 =	vcvt.f32.s32 v19;
	v17 =	vcvt.f32.s32 v17  }
0x1b5: {  	v61 =	vcvt.f32.s32 v24;
	v15 =	vcvt.f32.s32 v15  }
0x1b6: {  	v62 =	vcvt.f32.s32 v22;
	[tilespmem:v4+s15+$0x0] =	vst.idx.add.s32.msk $0xffff, v25;
	v4 =	vcvt.f32.s32 v14;
	v11 =	vshll.u32 v8, $0x9  }
0x1b7: {  	v63 =	vcvt.f32.s32 v23;
	[tilespmem:v5+s15+$0x0] =	vst.idx.add.s32.msk $0xffff, v6;
	v20 =	vshll.u32 v9, $0x9;
	v5 =	vsub.s32 v61, v11  }
0x1b8: {  	v6 =	vshll.u32 v10, $0x9;
	v11 =	vcvt.f32.s32 v18;
	[tilespmem:v8+s15+$0x0] =	vst.idx.add.s32.msk $0xffff, v5;
	v5 =	vsub.s32 v62, v20  }
0x1b9: {  	v16 =	vcvt.f32.s32 v16;
	v8 =	vshll.u32 v7, $0x9;
	[tilespmem:v9+s15+$0x0] =	vst.idx.add.s32.msk $0xffff, v5;
	v5 =	vsub.s32 v63, v6  }
0x1ba: {  	v6 =	vshll.u32 v17, $0x9;
	v9 =	vcvt.f32.s32 v12;
	[tilespmem:v10+s15+$0x0] =	vst.idx.add.s32.msk $0xffff, v5;
	v5 =	vsub.s32 v11, v8  }
0x1bb: {  	v8 =	vshll.u32 v15, $0x9;
	v10 =	vcvt.f32.s32 v13;
	[tilespmem:v7+s15+$0x0] =	vst.idx.add.s32.msk $0xffff, v5;
	v5 =	vsub.s32 v16, v6  }
0x1bc: {  	v6 =	vshll.u32 v4, $0x9;
	[tilespmem:v17+s15+$0x0] =	vst.idx.add.s32.msk $0xffff, v5;
	v5 =	vsub.s32 v9, v8  }
0x1bd: {  	v6 =	vsub.s32 v10, v6;
	[tilespmem:v15+s15+$0x0] =	vst.idx.add.s32.msk $0xffff, v5  }
0x1be: {  	s0 =	simm.s32 $0x0;
	[tilespmem:v4+s15+$0x0] =	vst.idx.add.s32.msk $0xffff, v6  }
0x1bf: {  	v4 =	vld [tilespmem:s0+$0x10020];
	_ =	sdelay $0x3  }
0x1c0: {  	v8 =	vld [tilespmem:s0+$0x10000]  }
0x1c1: {  	v5 =	vshrl.u32 v4, $0x14;
	v7 =	vand.u32 $0xFFFFF, v4;
	v4 =	vld [tilespmem:s0+$0x10010];
	_ =	sdelay $0x2  }
0x1c2: {  	v6 =	vcvt.s32.f32 v5;
	v7 =	vcvt.s32.f32 v7  }
0x1c3: {  	s31 =	simm.s32 $0x0;
	s1 =	simm.s32 $0xC0;
	v5 =	vshrl.u32 v8, $0x14;
	v8 =	vand.u32 $0xFFFFF, v8  }
.LBB2_17:
0x1c4: {  	s20 =	sshra.s32 s1, $0x2;
	s31 =	sadd.s32 $0x3, s31;
	v8 =	vcvt.s32.f32 v8;
	v9 =	vand.u32 $0xFFFFF, v4;
	[tilespmem:s0+$0x110A0] =	vst.add.f32.msk $0xffff, v6;
	v6 =	vmul.f32 $1.953125000e-03, v7  }
0x1c5: {  	v5 =	vcvt.s32.f32 v5;
	v4 =	vshrl.u32 v4, $0x14;
	v7 =	vld [tilespmem:s20+$0x10020];
	p1 =	slt.u32 s31, $0x102;
	v9 =	vcvt.s32.f32 v9  }
0x1c6: {  	v10 =	vcvt.s32.f32 v4;
	v8 =	vmul.f32 $1.953125000e-03, v8;
	[tilespmem:s0+$0x120F0] =	vst.add.f32.msk $0xffff, v6  }
0x1c7: {  	v11 =	vld [tilespmem:s20+$0x10000];
	v6 =	vmul.f32 $1.953125000e-03, v9  }
.Ltmp9:
0x1c8: {  	v4 =	vld [tilespmem:s20+$0x10010];
	(pc) =	sbr.rel @p1 .LBB2_17-.Ltmp9, $4  }
0x1c9: {  	[tilespmem:s0+$0x120D0] =	vst.add.f32.msk $0xffff, v8  }
0x1ca: {  	v8 =	vshrl.u32 v7, $0x14;
	v7 =	vand.u32 $0xFFFFF, v7;
	[tilespmem:s0+$0x120E0] =	vst.add.f32.msk $0xffff, v6  }
0x1cb: {  	v6 =	vcvt.s32.f32 v8;
	v7 =	vcvt.s32.f32 v7;
	[tilespmem:s0+$0x11080] =	vst.add.f32.msk $0xffff, v5  }
0x1cc: {  	s1 =	sadd.s32 $0xC0, s1;
	v5 =	vshrl.u32 v11, $0x14;
	v8 =	vand.u32 $0xFFFFF, v11;
	[tilespmem:s0+$0x11090] =	vst.add.f32.msk $0xffff, v10;
	s0 =	smov.u32 s20  }
0x1cd: {  	v8 =	vcvt.s32.f32 v8;
	v7 =	vmul.f32 $1.953125000e-03, v7  }
0x1ce: {  	v9 =	vand.u32 $0xFFFFF, v4;
	[tilespmem:s0+$0x110A0] =	vst.add.f32.msk $0xffff, v6;
	v5 =	vcvt.s32.f32 v5;
	v4 =	vshrl.u32 v4, $0x14  }
0x1cf: {  	v9 =	vcvt.s32.f32 v9;
	v4 =	vcvt.s32.f32 v4;
	[tilespmem:s0+$0x120F0] =	vst.add.f32.msk $0xffff, v7  }
0x1d0: {  	v62 =	vmul.f32 $1.953125000e-03, v8;
	[tilespmem:s0+$0x11080] =	vst.add.f32.msk $0xffff, v5  }
0x1d1: {  	v63 =	vmul.f32 $1.953125000e-03, v9;
	[tilespmem:s0+$0x11090] =	vst.add.f32.msk $0xffff, v4  }
0x1d2: {  	[tilespmem:s0+$0x120D0] =	vst.add.f32.msk $0xffff, v62  }
0x1d3: {  	s1 =	simm.s32 $0x10020;
	[tilespmem:s0+$0x120E0] =	vst.add.f32.msk $0xffff, v63  }
0x1d4: {  	[tilespmem:s1+$0xFFFFFFE0] =	vst v3  }
0x1d5: {  	s0 =	simm.s32 $0x0;
	[tilespmem:s1+$0x0] =	vst v3  }
.LBB2_19:
0x1d6: {  	s0 =	sadd.s32 $0x3, s0  }
0x1d7: {  	[tilespmem:s1+$0xFFFFFFF0] =	vst v3;
	s1 =	sadd.s32 $0x30, s1;
	p1 =	slt.u32 s0, $0x102  }
.Ltmp10:
0x1d8: {  	[tilespmem:s1+$0xFFFFFFE0] =	vst v3;
	(pc) =	sbr.rel @p1 .LBB2_19-.Ltmp10, $2  }
0x1d9: {  	_ =	sdelay $0x2  }
0x1da: {  	[tilespmem:s1+$0x0] =	vst v3  }
0x1db: {  	s0 =	sadd.s32 @!p0 s30, s11  }
0x1dc: {  	[tilespmem:s1+$0xFFFFFFF0] =	vst v3;
	s1 =	simm.s32 @!p0 $0x80;
	s20 =	simm.s32 @!p0 $0x400;
	s31 =	simm.s32 @!p0 $0x8000  }
0x1dd: {  	[tilespmem:s31], [sflag:$0x3] =	stream.strided.gather @!p0 [hbm4b:s0+s1], $0x4000, s20, s1, $0x38;
	[tilespmem:$0x13180] =	vst v63  }
0x1de: {  	_ =	swait.ge [sflag:s26], $0x4000  }
0x1df: {  	[sflag:s26] =	ssyncset.done $0x0  }
0x1e0: {  	s1 =	simm.s32 $0xC040;
	[sflag:s26] =	ssyncadd.s32 $0xFFFFC000  }
0x1e1: {  	v4 =	vld [tilespmem:s1+$0x30]  }
0x1e2: {  	v5 =	vld [tilespmem:s1+$0xFFFFFFD0]  }
0x1e3: {  	v6 =	vld [tilespmem:s1+$0xFFFFFFE0]  }
0x1e4: {  	v7 =	vld [tilespmem:s1+$0xFFFFFFF0]  }
0x1e5: {  	v8 =	vld [tilespmem:s1+$0x0]  }
0x1e6: {  	v9 =	vld [tilespmem:s1+$0x10]  }
0x1e7: {  	s20 =	simm.s32 $0xC0C0;
	v11 =	vld [tilespmem:s1+$0xFFFFFFC0]  }
0x1e8: {  	v21 =	vld [tilespmem:s20+$0x30]  }
0x1e9: {  	v32 =	vld [tilespmem:s20+$0x20];
	v4 =	vmul.f32 $2.133333400e+01, v4  }
0x1ea: {  	v10 =	vld [tilespmem:s1+$0x20];
	v5 =	vmul.f32 $2.133333400e+01, v5;
	v6 =	vmul.f32 $2.133333400e+01, v6  }
0x1eb: {  	v7 =	vmul.f32 $2.133333400e+01, v7;
	v8 =	vmul.f32 $2.133333400e+01, v8  }
0x1ec: {  	v9 =	vmul.f32 $2.133333400e+01, v9;
	v11 =	vmul.f32 $2.133333400e+01, v11  }
0x1ed: {  	v21 =	vmul.f32 $2.133333400e+01, v21;
	v4 =	vadd.f32 v0, v4;
	v5 =	vadd.f32 v0, v5  }
0x1ee: {  	v32 =	vmul.f32 $2.133333400e+01, v32;
	v6 =	vadd.f32 v0, v6;
	v7 =	vadd.f32 v0, v7  }
0x1ef: {  	v12 =	vadd.f32 v0, v8;
	v8 =	vmul.f32 $2.133333400e+01, v10;
	v9 =	vadd.f32 v0, v9  }
0x1f0: {  	v21 =	vadd.f32 v0, v21;
	v32 =	vadd.f32 v0, v32;
	v4 =	vmax.f32 v4, v1  }
0x1f1: {  	v5 =	vmax.f32 v5, v1;
	v6 =	vmax.f32 v6, v1;
	v7 =	vmax.f32 v7, v1  }
0x1f2: {  	v9 =	vmax.f32 v9, v1;
	v21 =	vmax.f32 v21, v1;
	v4 =	vmin.f32 v4, v2  }
0x1f3: {  	v5 =	vmin.f32 v5, v2;
	v6 =	vmin.f32 v6, v2;
	v10 =	vmul.f32 $5.120000000e+02, v4  }
0x1f4: {  	v7 =	vmin.f32 v7, v2;
	v4 =	vtrunc.f32 v4;
	v14 =	vmul.f32 $5.120000000e+02, v5  }
0x1f5: {  	v9 =	vmin.f32 v9, v2;
	v15 =	vmul.f32 $5.120000000e+02, v6;
	v16 =	vmul.f32 $5.120000000e+02, v7  }
0x1f6: {  	v32 =	vmax.f32 v32, v1;
	v18 =	vmul.f32 $5.120000000e+02, v9;
	v5 =	vtrunc.f32 v5  }
0x1f7: {  	v21 =	vmin.f32 v21, v2;
	v6 =	vtrunc.f32 v6;
	v7 =	vtrunc.f32 v7  }
0x1f8: {  	v32 =	vmin.f32 v32, v2;
	v9 =	vtrunc.f32 v9;
	v62 =	vmul.f32 $5.120000000e+02, v21  }
0x1f9: {  	v21 =	vtrunc.f32 v21;
	v43 =	vmul.f32 $5.120000000e+02, v32  }
0x1fa: {  	v13 =	vadd.f32 v0, v8;
	v8 =	vcvt.f32.s32 v4;
	v23 =	vcvt.f32.s32 v5  }
0x1fb: {  	v25 =	vcvt.f32.s32 v6;
	v26 =	vcvt.f32.s32 v7  }
0x1fc: {  	v36 =	vcvt.f32.s32 v21;
	v4 =	vadd.f32 $1.048576000e+06, v10;
	v10 =	vadd.f32 v0, v11  }
0x1fd: {  	v11 =	vmax.f32 v12, v1;
	v14 =	vadd.f32 $1.048576000e+06, v14;
	v15 =	vadd.f32 $1.048576000e+06, v15  }
0x1fe: {  	v12 =	vmax.f32 v13, v1;
	v16 =	vadd.f32 $1.048576000e+06, v16;
	v18 =	vadd.f32 $1.048576000e+06, v18  }
0x1ff: {  	v11 =	vmin.f32 v11, v2;
	v12 =	vmin.f32 v12, v2;
	v4 =	vtrunc.f32 v4  }
0x200: {  	v21 =	vadd.f32 $1.048576000e+06, v62;
	v17 =	vmul.f32 $5.120000000e+02, v11;
	v19 =	vmul.f32 $5.120000000e+02, v12  }
0x201: {  	v43 =	vadd.f32 $1.048576000e+06, v43;
	v11 =	vtrunc.f32 v11;
	v12 =	vtrunc.f32 v12  }
0x202: {  	v20 =	vshll.u32 v8, $0x9;
	v14 =	vtrunc.f32 v14;
	v15 =	vtrunc.f32 v15  }
0x203: {  	v24 =	vshll.u32 v23, $0x9;
	v16 =	vtrunc.f32 v16;
	v18 =	vtrunc.f32 v18  }
0x204: {  	v7 =	vld [tilespmem:s20+$0xFFFFFFE0];
	v27 =	vshll.u32 v25, $0x9;
	v21 =	vtrunc.f32 v21;
	v4 =	vcvt.f32.s32 v4  }
0x205: {  	v29 =	vshll.u32 v26, $0x9;
	v11 =	vcvt.f32.s32 v11;
	v5 =	vcvt.f32.s32 v12  }
0x206: {  	v10 =	vmax.f32 v10, v1;
	v28 =	vcvt.f32.s32 v15;
	v16 =	vcvt.f32.s32 v16  }
0x207: {  	v10 =	vmin.f32 v10, v2;
	v33 =	vcvt.f32.s32 v18;
	v21 =	vcvt.f32.s32 v21  }
0x208: {  	v6 =	vld [tilespmem:s20+$0xFFFFFFD0];
	v63 =	vshll.u32 v36, $0x9;
	v13 =	vmul.f32 $5.120000000e+02, v10;
	v10 =	vtrunc.f32 v10  }
0x209: {  	v15 =	vld [tilespmem:s20+$0x10];
	v17 =	vadd.f32 $1.048576000e+06, v17;
	v19 =	vadd.f32 $1.048576000e+06, v19;
	v35 =	vmul.f32 $2.133333400e+01, v7  }
0x20a: {  	v18 =	vld [tilespmem:s20+$0xFFFFFFC0];
	v10 =	vcvt.f32.s32 v10;
	v20 =	vsub.s32 v4, v20;
	v4 =	vcvt.f32.s32 v9  }
0x20b: {  	v31 =	vshll.u32 v11, $0x9;
	v7 =	vshll.u32 v5, $0x9;
	v17 =	vtrunc.f32 v17  }
0x20c: {  	v9 =	vld [tilespmem:s20+$0xFFFFFFF0];
	v13 =	vadd.f32 $1.048576000e+06, v13;
	v19 =	vtrunc.f32 v19;
	v30 =	vcvt.f32.s32 v17  }
0x20d: {  	v22 =	vshll.u32 v10, $0x9;
	v17 =	vmul.f32 $2.133333400e+01, v6;
	v6 =	vcvt.f32.s32 v19  }
0x20e: {  	v19 =	vadd.f32 v0, v35;
	v13 =	vtrunc.f32 v13;
	v15 =	vmul.f32 $2.133333400e+01, v15  }
0x20f: {  	v35 =	vsub.s32 v21, v63;
	v18 =	vmul.f32 $2.133333400e+01, v18;
	v12 =	vcvt.f32.s32 v13  }
0x210: {  	[tilespmem:v8+s15+$0x0] =	vst.idx.add.s32.msk $0xffff, v20;
	v13 =	vcvt.f32.s32 v14;
	v17 =	vadd.f32 v0, v17;
	v19 =	vmax.f32 v19, v1  }
0x211: {  	v14 =	vld [tilespmem:s20+$0x0];
	v9 =	vmul.f32 $2.133333400e+01, v9;
	v15 =	vadd.f32 v0, v15;
	v18 =	vadd.f32 v0, v18  }
0x212: {  	v19 =	vmin.f32 v19, v2;
	v17 =	vmax.f32 v17, v1;
	v8 =	vsub.s32 v12, v22  }
0x213: {  	v9 =	vadd.f32 v0, v9;
	v18 =	vmax.f32 v18, v1;
	v15 =	vmax.f32 v15, v1  }
0x214: {  	v34 =	vshll.u32 v4, $0x9;
	v17 =	vmin.f32 v17, v2;
	[tilespmem:v10+s15+$0x0] =	vst.idx.add.s32.msk $0xffff, v8;
	v8 =	vsub.s32 v13, v24  }
0x215: {  	v13 =	vtrunc.f32 v43;
	v18 =	vmin.f32 v18, v2;
	v37 =	vmul.f32 $5.120000000e+02, v17  }
0x216: {  	v15 =	vmin.f32 v15, v2;
	v20 =	vtrunc.f32 v17;
	v14 =	vmul.f32 $2.133333400e+01, v14  }
0x217: {  	[tilespmem:v23+s15+$0x0] =	vst.idx.add.s32.msk $0xffff, v8;
	v8 =	vsub.s32 v28, v27;
	v21 =	vmul.f32 $5.120000000e+02, v18;
	v41 =	vmul.f32 $5.120000000e+02, v15  }
0x218: {  	v9 =	vmax.f32 v9, v1;
	v44 =	vtrunc.f32 v18;
	v15 =	vtrunc.f32 v15;
	[tilespmem:v25+s15+$0x0] =	vst.idx.add.s32.msk $0xffff, v8  }
0x219: {  	v8 =	vsub.s32 v16, v29;
	v9 =	vmin.f32 v9, v2;
	v14 =	vadd.f32 v0, v14  }
0x21a: {  	v37 =	vadd.f32 $1.048576000e+06, v37;
	[tilespmem:v26+s15+$0x0] =	vst.idx.add.s32.msk $0xffff, v8;
	v8 =	vcvt.f32.s32 v44;
	v38 =	vadd.f32 $1.048576000e+06, v21  }
0x21b: {  	v21 =	vmul.f32 $5.120000000e+02, v19;
	v39 =	vmul.f32 $5.120000000e+02, v9;
	v14 =	vmax.f32 v14, v1  }
0x21c: {  	v41 =	vadd.f32 $1.048576000e+06, v41;
	v22 =	vtrunc.f32 v37;
	v14 =	vmin.f32 v14, v2  }
0x21d: {  	v42 =	vadd.f32 $1.048576000e+06, v21;
	v21 =	vtrunc.f32 v19;
	v40 =	vmul.f32 $5.120000000e+02, v14  }
0x21e: {  	v39 =	vadd.f32 $1.048576000e+06, v39;
	v19 =	vtrunc.f32 v9;
	v24 =	vtrunc.f32 v38  }
0x21f: {  	v12 =	vtrunc.f32 v41;
	v17 =	vtrunc.f32 v14;
	v40 =	vadd.f32 $1.048576000e+06, v40  }
0x220: {  	[tilespmem:v36+s15+$0x0] =	vst.idx.add.s32.msk $0xffff, v35;
	v9 =	vsub.s32 v30, v31;
	v14 =	vtrunc.f32 v32;
	v23 =	vtrunc.f32 v42  }
0x221: {  	s31 =	simm.s32 $0x8;
	s0 =	simm.s32 $0xC140;
	v25 =	vsub.s32 v33, v34;
	[tilespmem:v11+s15+$0x0] =	vst.idx.add.s32.msk $0xffff, v9;
	v18 =	vtrunc.f32 v39;
	v16 =	vtrunc.f32 v40  }
.LBB2_21:
0x222: {  	v26 =	vld [tilespmem:s0+$0x30];
	s31 =	sadd.s32 $0x8, s31;
	v27 =	vcvt.f32.s32 v20;
	v10 =	vcvt.f32.s32 v21;
	v20 =	vsub.s32 v6, v7  }
0x223: {  	v11 =	vcvt.f32.s32 v19;
	v9 =	vcvt.f32.s32 v17;
	v6 =	vld [tilespmem:s0+$0xFFFFFFD0];
	p1 =	slt.u32 s31, $0x3F8;
	v28 =	vshll.u32 v8, $0x9  }
0x224: {  	v15 =	vcvt.f32.s32 v15;
	v14 =	vcvt.f32.s32 v14;
	v7 =	vld [tilespmem:s0+$0xFFFFFFE0];
	v29 =	vshll.u32 v27, $0x9  }
0x225: {  	v24 =	vcvt.f32.s32 v24;
	v22 =	vcvt.f32.s32 v22;
	v30 =	vshll.u32 v10, $0x9;
	v17 =	vld [tilespmem:s0+$0xFFFFFFF0]  }
0x226: {  	v23 =	vcvt.f32.s32 v23;
	v31 =	vcvt.f32.s32 v18;
	v32 =	vshll.u32 v11, $0x9;
	v19 =	vld [tilespmem:s0+$0x0]  }
0x227: {  	v33 =	vshll.u32 v9, $0x9;
	v18 =	vld [tilespmem:s0+$0x10];
	v21 =	vmul.f32 $2.133333400e+01, v26;
	v26 =	vcvt.f32.s32 v16  }
0x228: {  	v35 =	vcvt.f32.s32 v12;
	v36 =	vshll.u32 v15, $0x9;
	v16 =	vmul.f32 $2.133333400e+01, v6;
	v34 =	vld [tilespmem:s0+$0x20]  }
0x229: {  	v6 =	vcvt.f32.s32 v13;
	v12 =	vld [tilespmem:s0+$0xFFFFFFC0];
	v37 =	vmul.f32 $2.133333400e+01, v7;
	v21 =	vadd.f32 v0, v21  }
0x22a: {  	v7 =	vshll.u32 v14, $0x9;
	v13 =	vadd.f32 v0, v16;
	v16 =	vmul.f32 $2.133333400e+01, v17;
	[tilespmem:v4+s15+$0x0] =	vst.idx.add.s32.msk $0xffff, v25;
	v4 =	vmovc v15  }
0x22b: {  	v15 =	vadd.f32 v0, v37;
	v17 =	vmul.f32 $2.133333400e+01, v19;
	v19 =	vmax.f32 v21, v1;
	[tilespmem:v5+s15+$0x0] =	vst.idx.add.s32.msk $0xffff, v20  }
0x22c: {  	v5 =	vmovc v14;
	v16 =	vadd.f32 v0, v16;
	v18 =	vmul.f32 $2.133333400e+01, v18;
	v19 =	vmin.f32 v19, v2  }
0x22d: {  	v14 =	vadd.f32 v0, v17;
	v17 =	vmul.f32 $2.133333400e+01, v34;
	v20 =	vmul.f32 $5.120000000e+02, v19  }
0x22e: {  	v19 =	vtrunc.f32 v19;
	v12 =	vmul.f32 $2.133333400e+01, v12;
	v18 =	vadd.f32 v0, v18  }
0x22f: {  	v19 =	vcvt.f32.s32 v19;
	v17 =	vadd.f32 v0, v17;
	v20 =	vadd.f32 $1.048576000e+06, v20  }
0x230: {  	v13 =	vmax.f32 v13, v1;
	v15 =	vmax.f32 v15, v1;
	v12 =	vadd.f32 v0, v12  }
0x231: {  	v16 =	vmax.f32 v16, v1;
	v14 =	vmax.f32 v14, v1;
	v20 =	vtrunc.f32 v20  }
0x232: {  	v18 =	vmax.f32 v18, v1;
	v12 =	vmax.f32 v12, v1;
	v20 =	vcvt.f32.s32 v20  }
0x233: {  	v21 =	vshll.u32 v19, $0x9;
	v17 =	vmax.f32 v17, v1;
	v12 =	vmin.f32 v12, v2  }
0x234: {  	v13 =	vmin.f32 v13, v2;
	v15 =	vmin.f32 v15, v2;
	v20 =	vsub.s32 v20, v21  }
0x235: {  	v16 =	vmin.f32 v16, v2;
	v14 =	vmin.f32 v14, v2;
	v21 =	vmul.f32 $5.120000000e+02, v12;
	[tilespmem:v19+s15+$0x0] =	vst.idx.add.s32.msk $0xffff, v20  }
0x236: {  	v18 =	vmin.f32 v18, v2;
	v25 =	vmin.f32 v17, v2;
	v19 =	vmul.f32 $5.120000000e+02, v13  }
0x237: {  	v17 =	vmul.f32 $5.120000000e+02, v15;
	v20 =	vmul.f32 $5.120000000e+02, v16;
	v34 =	vadd.f32 $1.048576000e+06, v21  }
0x238: {  	v21 =	vmul.f32 $5.120000000e+02, v18;
	v37 =	vadd.f32 $1.048576000e+06, v19;
	v19 =	vmul.f32 $5.120000000e+02, v14  }
0x239: {  	v38 =	vadd.f32 $1.048576000e+06, v17;
	v17 =	vmul.f32 $5.120000000e+02, v25;
	v39 =	vadd.f32 $1.048576000e+06, v20  }
0x23a: {  	v40 =	vtrunc.f32 v12;
	v41 =	vadd.f32 $1.048576000e+06, v21;
	v12 =	vadd.f32 $1.048576000e+06, v19  }
0x23b: {  	v20 =	vtrunc.f32 v13;
	v13 =	vadd.f32 $1.048576000e+06, v17;
	v21 =	vtrunc.f32 v15  }
0x23c: {  	v17 =	vtrunc.f32 v14;
	v19 =	vtrunc.f32 v16;
	v16 =	vsub.s32 v24, v28  }
.Ltmp11:
0x23d: {  	v14 =	vtrunc.f32 v25;
	v15 =	vtrunc.f32 v18;
	[tilespmem:v8+s15+$0x0] =	vst.idx.add.s32.msk $0xffff, v16;
	v8 =	vsub.s32 v22, v29;
	(pc) =	sbr.rel @p1 .LBB2_21-.Ltmp11, $4  }
0x23e: {  	v24 =	vtrunc.f32 v34;
	v22 =	vtrunc.f32 v37;
	[tilespmem:v27+s15+$0x0] =	vst.idx.add.s32.msk $0xffff, v8;
	v8 =	vsub.s32 v23, v30  }
0x23f: {  	v18 =	vtrunc.f32 v39;
	v23 =	vtrunc.f32 v38;
	[tilespmem:v10+s15+$0x0] =	vst.idx.add.s32.msk $0xffff, v8;
	v8 =	vsub.s32 v31, v32  }
0x240: {  	v16 =	vtrunc.f32 v12;
	v12 =	vtrunc.f32 v41;
	v10 =	vsub.s32 v26, v33;
	[tilespmem:v11+s15+$0x0] =	vst.idx.add.s32.msk $0xffff, v8  }
0x241: {  	s0 =	sadd.s32 $0x80, s0;
	v25 =	vsub.s32 v35, v36;
	v13 =	vtrunc.f32 v13;
	v8 =	vcvt.f32.s32 v40;
	[tilespmem:v9+s15+$0x0] =	vst.idx.add.s32.msk $0xffff, v10  }
0x242: {  	_ = 	snop  }
0x243: {  	v9 =	vcvt.f32.s32 v20;
	v10 =	vcvt.f32.s32 v21  }
0x244: {  	v6 =	vsub.s32 v6, v7;
	v7 =	vcvt.f32.s32 v19;
	v17 =	vcvt.f32.s32 v17  }
0x245: {  	v61 =	vcvt.f32.s32 v24;
	v15 =	vcvt.f32.s32 v15  }
0x246: {  	v62 =	vcvt.f32.s32 v22;
	[tilespmem:v4+s15+$0x0] =	vst.idx.add.s32.msk $0xffff, v25;
	v4 =	vcvt.f32.s32 v14;
	v11 =	vshll.u32 v8, $0x9  }
0x247: {  	v63 =	vcvt.f32.s32 v23;
	[tilespmem:v5+s15+$0x0] =	vst.idx.add.s32.msk $0xffff, v6;
	v20 =	vshll.u32 v9, $0x9;
	v5 =	vsub.s32 v61, v11  }
0x248: {  	v6 =	vshll.u32 v10, $0x9;
	v11 =	vcvt.f32.s32 v18;
	[tilespmem:v8+s15+$0x0] =	vst.idx.add.s32.msk $0xffff, v5;
	v5 =	vsub.s32 v62, v20  }
0x249: {  	v16 =	vcvt.f32.s32 v16;
	v8 =	vshll.u32 v7, $0x9;
	[tilespmem:v9+s15+$0x0] =	vst.idx.add.s32.msk $0xffff, v5;
	v5 =	vsub.s32 v63, v6  }
0x24a: {  	v6 =	vshll.u32 v17, $0x9;
	v9 =	vcvt.f32.s32 v12;
	[tilespmem:v10+s15+$0x0] =	vst.idx.add.s32.msk $0xffff, v5;
	v5 =	vsub.s32 v11, v8  }
0x24b: {  	v8 =	vshll.u32 v15, $0x9;
	v10 =	vcvt.f32.s32 v13;
	[tilespmem:v7+s15+$0x0] =	vst.idx.add.s32.msk $0xffff, v5;
	v5 =	vsub.s32 v16, v6  }
0x24c: {  	v6 =	vshll.u32 v4, $0x9;
	[tilespmem:v17+s15+$0x0] =	vst.idx.add.s32.msk $0xffff, v5;
	v5 =	vsub.s32 v9, v8  }
0x24d: {  	v6 =	vsub.s32 v10, v6;
	[tilespmem:v15+s15+$0x0] =	vst.idx.add.s32.msk $0xffff, v5  }
0x24e: {  	s0 =	simm.s32 $0x0;
	[tilespmem:v4+s15+$0x0] =	vst.idx.add.s32.msk $0xffff, v6  }
0x24f: {  	v4 =	vld [tilespmem:s0+$0x10020];
	_ =	sdelay $0x3  }
0x250: {  	v8 =	vld [tilespmem:s0+$0x10000]  }
0x251: {  	v5 =	vshrl.u32 v4, $0x14;
	v7 =	vand.u32 $0xFFFFF, v4;
	v4 =	vld [tilespmem:s0+$0x10010];
	_ =	sdelay $0x2  }
0x252: {  	v6 =	vcvt.s32.f32 v5;
	v7 =	vcvt.s32.f32 v7  }
0x253: {  	s31 =	simm.s32 $0x0;
	s1 =	simm.s32 $0xC0;
	v5 =	vshrl.u32 v8, $0x14;
	v8 =	vand.u32 $0xFFFFF, v8  }
.LBB2_23:
0x254: {  	s20 =	sshra.s32 s1, $0x2;
	s31 =	sadd.s32 $0x3, s31;
	v8 =	vcvt.s32.f32 v8;
	v9 =	vand.u32 $0xFFFFF, v4;
	[tilespmem:s0+$0x110A0] =	vst.add.f32.msk $0xffff, v6;
	v6 =	vmul.f32 $1.953125000e-03, v7  }
0x255: {  	v5 =	vcvt.s32.f32 v5;
	v4 =	vshrl.u32 v4, $0x14;
	v7 =	vld [tilespmem:s20+$0x10020];
	p1 =	slt.u32 s31, $0x102;
	v9 =	vcvt.s32.f32 v9  }
0x256: {  	v10 =	vcvt.s32.f32 v4;
	v8 =	vmul.f32 $1.953125000e-03, v8;
	[tilespmem:s0+$0x120F0] =	vst.add.f32.msk $0xffff, v6  }
0x257: {  	v11 =	vld [tilespmem:s20+$0x10000];
	v6 =	vmul.f32 $1.953125000e-03, v9  }
.Ltmp12:
0x258: {  	v4 =	vld [tilespmem:s20+$0x10010];
	(pc) =	sbr.rel @p1 .LBB2_23-.Ltmp12, $4  }
0x259: {  	[tilespmem:s0+$0x120D0] =	vst.add.f32.msk $0xffff, v8  }
0x25a: {  	v8 =	vshrl.u32 v7, $0x14;
	v7 =	vand.u32 $0xFFFFF, v7;
	[tilespmem:s0+$0x120E0] =	vst.add.f32.msk $0xffff, v6  }
0x25b: {  	v6 =	vcvt.s32.f32 v8;
	v7 =	vcvt.s32.f32 v7;
	[tilespmem:s0+$0x11080] =	vst.add.f32.msk $0xffff, v5  }
0x25c: {  	s1 =	sadd.s32 $0xC0, s1;
	v5 =	vshrl.u32 v11, $0x14;
	v8 =	vand.u32 $0xFFFFF, v11;
	[tilespmem:s0+$0x11090] =	vst.add.f32.msk $0xffff, v10;
	s0 =	smov.u32 s20  }
0x25d: {  	v8 =	vcvt.s32.f32 v8;
	v7 =	vmul.f32 $1.953125000e-03, v7  }
0x25e: {  	v9 =	vand.u32 $0xFFFFF, v4;
	[tilespmem:s0+$0x110A0] =	vst.add.f32.msk $0xffff, v6;
	v5 =	vcvt.s32.f32 v5;
	v4 =	vshrl.u32 v4, $0x14  }
0x25f: {  	v9 =	vcvt.s32.f32 v9;
	v4 =	vcvt.s32.f32 v4;
	[tilespmem:s0+$0x120F0] =	vst.add.f32.msk $0xffff, v7  }
0x260: {  	v62 =	vmul.f32 $1.953125000e-03, v8;
	[tilespmem:s0+$0x11080] =	vst.add.f32.msk $0xffff, v5  }
0x261: {  	v63 =	vmul.f32 $1.953125000e-03, v9;
	[tilespmem:s0+$0x11090] =	vst.add.f32.msk $0xffff, v4  }
0x262: {  	[tilespmem:s0+$0x120D0] =	vst.add.f32.msk $0xffff, v62  }
0x263: {  	s1 =	simm.s32 $0x10020;
	[tilespmem:s0+$0x120E0] =	vst.add.f32.msk $0xffff, v63  }
0x264: {  	[tilespmem:s1+$0xFFFFFFE0] =	vst v3  }
0x265: {  	s0 =	simm.s32 $0x0;
	[tilespmem:s1+$0x0] =	vst v3  }
.LBB2_25:
0x266: {  	s0 =	sadd.s32 $0x3, s0  }
0x267: {  	[tilespmem:s1+$0xFFFFFFF0] =	vst v3;
	s1 =	sadd.s32 $0x30, s1;
	p1 =	slt.u32 s0, $0x102  }
.Ltmp13:
0x268: {  	[tilespmem:s1+$0xFFFFFFE0] =	vst v3;
	(pc) =	sbr.rel @p1 .LBB2_25-.Ltmp13, $2  }
0x269: {  	_ =	sdelay $0x2  }
0x26a: {  	[tilespmem:s1+$0x0] =	vst v3  }
.Ltmp14:
0x26b: {  	(pc) =	sbr.rel @p0 .LBB2_28-.Ltmp14, $2  }
0x26c: {  	_ =	sdelay $0x2  }
0x26d: {  	[tilespmem:s1+$0xFFFFFFF0] =	vst v3  }
.Ltmp15:
0x26e: {  	(pc) =	sbr.rel .LBB2_2-.Ltmp15, $3  }
0x26f: {  	_ =	sdelay $0x1  }
0x270: {  	s0 =	sadd.s32 s30, s12;
	s29 =	sadd.s32 $0x1, s29  }
0x271: {  	[tilespmem:s22], [sflag:$0x4] =	stream.strided.gather [hbm4b:s0+s18], $0x4000, s19, s18, $0x38;
	[tilespmem:$0x13180] =	vst v63  }
.LBB2_29:
0x272: {  	_ =	sfence.sel $0x180000  }
0x273: {  	[bflag:$0x0] =	sbarrier.arrive $0xFFFF  }
0x274: {  	_ =	strace $0x90000047  }
0x275: {  	s0 =	stileid.u32;
	[bflag:$0x2] =	sbarrier.arrive $0xFFFF  }
0x276: {  	p0 =	sne.s32 s0, $0x0;
	s0 =	rddreg [dreg:$0x2]  }
0x277: {  	s0 =	sadd.s32 @!p0 $0x100000, s0  }
0x278: {  	[sflag:s0] =	ssyncadd.tile.s32 @!p0 $0x1;
	_ =	shalt  }
.Lfunc_end2:
_tile_overlayer_lowered:
.L_overlay_start_2:
0x279: {  	(tag) =	ssettag $0x2  }
0x27a: {  	s0 =	rddreg [dreg:$0x0];
	s2 =	stileid.u32  }
0x27b: {  	s1 =	rddreg [dreg:$0x1];
	p0 =	sne.s32 s2, $0x0  }
0x27c: {  	s3 =	rddreg [dreg:$0x2];
	[bflag:$0x3] =	sbarrier.arrive $0xFFFF;
	s2 =	simm.s32 @!p0 $0x1C05  }
0x27d: {  	[timem:s3], [sflag:s2] =	dma.local @!p0 [hbm:s0], s1  }
0x27e: {  	s0 =	simm.s32 @!p0 $0x5  }
0x27f: {  	_ =	swait.ge @!p0 [sflag:s0], s1  }
0x280: {  	s1 =	ssub.s32 @!p0 $0x0, s1;
	[sflag:s0] =	ssyncset.done @!p0 $0x0  }
0x281: {  	[sflag:s0] =	ssyncadd.s32 @!p0 s1  }
0x282: {  	[bflag:$0x3] =	sbarrier.arrive $0xFFFF  }
0x283: {  	_ =	shalt  }

</sc_bundles>
